<compile_context>
chip_gen: v7x
topology: tpu7x:2x2x1
jax: 0.10.2.dev20260603
libtpu: 0.0.44.dev20260713+nightly
codegen_flags: <defaults>
</compile_context>

<pallas_src>
import functools

import jax
import jax.numpy as jnp
from jax import lax
from jax.experimental import pallas as pl
from jax.experimental.pallas import tpu as pltpu
from jax.experimental.pallas import tpu_sc as plsc

NC = 2
NS = 16
LANES = 16


def _table_body(v_ref, t_ref):
    v = v_ref[...]
    n = jnp.sqrt(v[:, 0:16] ** 2 + v[:, 16:32] ** 2 + v[:, 32:48] ** 2)
    t_ref[...] = jnp.concatenate([v, n], axis=1)


def _node_table(v2):
    n = v2.shape[0]
    return pl.pallas_call(
        _table_body,
        out_shape=jax.ShapeDtypeStruct((n, 64), jnp.float32),
    )(v2)


def _make_sc_gather(n_nodes, n_edges):
    nwk = NC * NS
    ew = n_edges // nwk
    chunk = 80
    n_chunks = ew // chunk
    mesh = plsc.VectorSubcoreMesh(core_axis_name="c", subcore_axis_name="s", num_cores=NC, num_subcores=NS)

    n_pairs = (n_chunks - 1) // 2
    assert n_chunks == 2 * n_pairs + 1

    @functools.partial(
        pl.kernel,
        out_type=jax.ShapeDtypeStruct((n_edges, 128), jnp.float32),
        mesh=mesh,
        scratch_types=[
            pltpu.VMEM((chunk,), jnp.int32),
            pltpu.VMEM((chunk,), jnp.int32),
            pltpu.VMEM((chunk,), jnp.int32),
            pltpu.VMEM((chunk,), jnp.int32),
            pltpu.VMEM((chunk, 64), jnp.float32),
            pltpu.VMEM((chunk, 64), jnp.float32),
            pltpu.VMEM((chunk, 64), jnp.float32),
            pltpu.VMEM((chunk, 64), jnp.float32),
            pltpu.SemaphoreType.DMA,
            pltpu.SemaphoreType.DMA,
            pltpu.SemaphoreType.DMA,
            pltpu.SemaphoreType.DMA,
            pltpu.SemaphoreType.DMA,
            pltpu.SemaphoreType.DMA,
        ],
        compiler_params=pltpu.CompilerParams(use_tc_tiling_on_sc=False),
    )
    def k(t_hbm, row_hbm, col_hbm, g_hbm,
          ir0, ic0, ir1, ic1, gr0, gc0, gr1, gc1,
          isem0, isem1, gsem0, gsem1, wsem0, wsem1):
        wid = lax.axis_index("s") * NC + lax.axis_index("c")
        base = wid * ew
        ir, ic = (ir0, ir1), (ic0, ic1)
        gr, gc = (gr0, gr1), (gc0, gc1)
        isem, gsem, wsem = (isem0, isem1), (gsem0, gsem1), (wsem0, wsem1)

        def idx_start(j, b):
            off = base + j * chunk
            pltpu.async_copy(row_hbm.at[pl.ds(off, chunk)], ir[b], isem[b])
            pltpu.async_copy(col_hbm.at[pl.ds(off, chunk)], ic[b], isem[b])

        def idx_wait(b):
            pltpu.make_async_copy(
                row_hbm.at[pl.ds(0, chunk)], ir[b], isem[b]).wait()
            pltpu.make_async_copy(
                col_hbm.at[pl.ds(0, chunk)], ic[b], isem[b]).wait()

        def gat_start(b):
            pltpu.async_copy(t_hbm.at[ir[b]], gr[b], gsem[b])
            pltpu.async_copy(t_hbm.at[ic[b]], gc[b], gsem[b])

        def gat_wait(b):
            pltpu.make_async_copy(t_hbm.at[ir[b]], gr[b], gsem[b]).wait()
            pltpu.make_async_copy(t_hbm.at[ic[b]], gc[b], gsem[b]).wait()

        def wr_start(j, b):
            off = base + j * chunk
            pltpu.async_copy(
                gr[b], g_hbm.at[pl.ds(off, chunk), pl.ds(0, 64)], wsem[b])
            pltpu.async_copy(
                gc[b], g_hbm.at[pl.ds(off, chunk), pl.ds(64, 64)], wsem[b])

        def wr_wait(b):
            pltpu.make_async_copy(
                gr[b], g_hbm.at[pl.ds(0, chunk), pl.ds(0, 64)],
                wsem[b]).wait()
            pltpu.make_async_copy(
                gc[b], g_hbm.at[pl.ds(0, chunk), pl.ds(64, 64)],
                wsem[b]).wait()

        idx_start(0, 0)
        idx_wait(0)
        gat_start(0)
        idx_start(1, 1)

        def pair(p, carry):
            for b in range(2):
                j = 2 * p + b
                nb = 1 - b
                gat_wait(b)
                wr_start(j, b)
                idx_wait(nb)

                @pl.when(j >= 1)
                def _():
                    wr_wait(nb)

                gat_start(nb)

                @pl.when(j + 2 < n_chunks)
                def _():
                    idx_start(j + 2, b)

            return carry

        lax.fori_loop(0, n_pairs, pair, 0)

        gat_wait(0)
        wr_wait(1)
        wr_start(n_chunks - 1, 0)
        wr_wait(0)

    return k


def _edge_body(m_ref, g_ref, ln_g_ref, ln_b_ref, w1_ref, b1_ref,
               w2_ref, b2_ref, wab_ref, crep_ref, ib1_ref, iw2_ref,
               ib2_ref, mo_ref, w_ref):
    m = m_ref[...]
    d = m.shape[1]
    jm = jnp.full((d, d), 1.0 / d, dtype=jnp.float32)
    mu = jnp.dot(m, jm, preferred_element_type=jnp.float32)
    ms = jnp.dot(m * m, jm, preferred_element_type=jnp.float32)
    var = ms - mu * mu
    mn = (m - mu) * lax.rsqrt(var + 1e-5) * ln_g_ref[...] + ln_b_ref[...]
    h = jax.nn.relu(
        jnp.dot(mn, w1_ref[...], preferred_element_type=jnp.float32)
        + b1_ref[...])
    mo = mn + jnp.dot(
        h, w2_ref[...], preferred_element_type=jnp.float32) + b2_ref[...]
    mo_ref[...] = mo

    g = g_ref[...]
    u = g[:, 0:64] * g[:, 64:128]
    dot = u[:, 0:16] + u[:, 16:32] + u[:, 32:48]
    cos = dot / (u[:, 48:64] + 1e-8)
    ih = jax.nn.relu(
        jnp.dot(g, wab_ref[...], preferred_element_type=jnp.float32)
        + jnp.dot(cos, crep_ref[...], preferred_element_type=jnp.float32)
        + ib1_ref[...])
    alpha = jax.nn.sigmoid(
        jnp.sum(ih * iw2_ref[...], axis=1, keepdims=True) + ib2_ref[...])
    w_ref[...] = mo * alpha


def _tc_edge(m, g, ln_g, ln_b, w1, b1, w2, b2, iw1, ib1, iw2t, ib2):
    e, d = m.shape
    be = 2000
    grid = (e // be,)
    full = lambda shp: pl.BlockSpec(shp, lambda i: (0, 0))

    wab = jnp.zeros((d, d), jnp.float32)
    wab = wab.at[48:64].set(iw1[0:16]).at[112:128].set(iw1[16:32])
    crep = iw1[32:48]

    return pl.pallas_call(
        _edge_body,
        grid=grid,
        in_specs=[
            pl.BlockSpec((be, d), lambda i: (i, 0)),
            pl.BlockSpec((be, d), lambda i: (i, 0)),
            full((1, d)), full((1, d)),
            full((d, d)), full((1, d)),
            full((d, d)), full((1, d)),
            full((d, d)), full((16, d)),
            full((1, d)),
            full((1, d)), full((1, 1)),
        ],
        out_specs=[
            pl.BlockSpec((be, d), lambda i: (i, 0)),
            pl.BlockSpec((be, d), lambda i: (i, 0)),
        ],
        out_shape=[
            jax.ShapeDtypeStruct((e, d), jnp.float32),
            jax.ShapeDtypeStruct((e, d), jnp.float32),
        ],
    )(m, g, ln_g, ln_b, w1, b1, w2, b2, wab, crep, ib1, iw2t, ib2)


def _make_sc_scatter(n_nodes, n_edges, d):
    nwk = NC * NS
    ew = n_edges // nwk
    chunk = 80
    n_chunks = ew // chunk
    rows_per_tile = n_nodes // NS
    zrows = 125
    nz = rows_per_tile // zrows
    mesh = plsc.VectorSubcoreMesh(core_axis_name="c", subcore_axis_name="s", num_cores=NC, num_subcores=NS)

    n_pairs = (n_chunks - 1) // 2
    assert n_chunks == 2 * n_pairs + 1

    @functools.partial(
        pl.kernel,
        out_type=jax.ShapeDtypeStruct((NC * n_nodes, d), jnp.float32),
        mesh=mesh,
        scratch_types=[
            pltpu.VMEM((chunk,), jnp.int32),
            pltpu.VMEM((chunk,), jnp.int32),
            pltpu.VMEM((chunk, d), jnp.float32),
            pltpu.VMEM((chunk, d), jnp.float32),
            pltpu.VMEM((zrows, d), jnp.float32),
            pltpu.VMEM_SHARED((n_nodes, d), jnp.float32),
            pltpu.SemaphoreType.DMA,
            pltpu.SemaphoreType.DMA,
        ],
        compiler_params=pltpu.CompilerParams(
            use_tc_tiling_on_sc=False, needs_layout_passes=False),
    )
    def k(w_hbm, row_hbm, out_hbm, idx0, idx1, wv0, wv1,
          zbuf, accum, lsem0, lsem1):
        c = lax.axis_index("c")
        s = lax.axis_index("s")
        wid = s * NC + c
        base = wid * ew
        idx, wv = (idx0, idx1), (wv0, wv1)
        lsem = (lsem0, lsem1)

        def lstart(j, b):
            off = base + j * chunk
            pltpu.async_copy(row_hbm.at[pl.ds(off, chunk)], idx[b], lsem[b])
            pltpu.async_copy(w_hbm.at[pl.ds(off, chunk)], wv[b], lsem[b])

        def lwait(b):
            pltpu.make_async_copy(
                row_hbm.at[pl.ds(0, chunk)], idx[b], lsem[b]).wait()
            pltpu.make_async_copy(
                w_hbm.at[pl.ds(0, chunk)], wv[b], lsem[b]).wait()

        lstart(0, 0)
        lstart(1, 1)

        def zb(i, carry):
            for j in range(d // LANES):
                zbuf[i, pl.ds(j * LANES, LANES)] = jnp.zeros(
                    (LANES,), jnp.float32)
            return carry

        lax.fori_loop(0, zrows, zb, 0)
        for p in range(nz):
            pltpu.sync_copy(
                zbuf, accum.at[pl.ds(s * rows_per_tile + p * zrows, zrows)])
        plsc.subcore_barrier()

        def pair(p, carry):
            for b in range(2):
                j = 2 * p + b
                lwait(b)
                pltpu.sync_copy(wv[b], accum.at[idx[b]], add=True)

                @pl.when(j + 2 < n_chunks)
                def _():
                    lstart(j + 2, b)

            return carry

        lax.fori_loop(0, n_pairs, pair, 0)
        lwait(0)
        pltpu.sync_copy(wv[0], accum.at[idx[0]], add=True)
        plsc.subcore_barrier()

        pltpu.sync_copy(
            accum.at[pl.ds(s * rows_per_tile, rows_per_tile)],
            out_hbm.at[pl.ds(c * n_nodes + s * rows_per_tile,
                             rows_per_tile)])

    return k


def _node_body(p_ref, x_ref, v_ref, nw1_ref, nb1_ref, nw2_ref, nb2_ref,
               gw_ref, gb_ref, xo_ref, vo_ref):
    m = p_ref[0] + p_ref[1]
    nh = jax.nn.relu(
        jnp.dot(m, nw1_ref[...], preferred_element_type=jnp.float32)
        + nb1_ref[...])
    xo = x_ref[...] + jnp.dot(nh, nw2_ref[...],
                              preferred_element_type=jnp.float32) \
        + nb2_ref[...]
    g = jax.nn.sigmoid(
        jnp.dot(xo, gw_ref[...], preferred_element_type=jnp.float32)
        + gb_ref[...])
    v = v_ref[...]
    xo_ref[...] = xo
    vo_ref[...] = jnp.concatenate(
        [v[:, 0:16] * g, v[:, 16:32] * g, v[:, 32:48] * g], axis=1)


def _tc_node(p, x, v2, nw1, nb1, nw2, nb2, gw, gb):
    n, d = x.shape
    bn = 2000
    grid = (n // bn,)
    full2 = lambda shp: pl.BlockSpec(shp, lambda i: (0, 0))
    return pl.pallas_call(
        _node_body,
        grid=grid,
        in_specs=[
            pl.BlockSpec((2, bn, d), lambda i: (0, i, 0)),
            pl.BlockSpec((bn, d), lambda i: (i, 0)),
            pl.BlockSpec((bn, 48), lambda i: (i, 0)),
            full2((d, d)), full2((1, d)),
            full2((d, d)), full2((1, d)),
            full2((d, 16)), full2((1, 16)),
        ],
        out_specs=[
            pl.BlockSpec((bn, d), lambda i: (i, 0)),
            pl.BlockSpec((bn, 48), lambda i: (i, 0)),
        ],
        out_shape=[
            jax.ShapeDtypeStruct((n, d), jnp.float32),
            jax.ShapeDtypeStruct((n, 48), jnp.float32),
        ],
    )(p, x, v2, nw1, nb1, nw2, nb2, gw, gb)


def kernel(x, M, V, ln_g, ln_b, mW1, mb1, mW2, mb2, nW1, nb1, nW2, nb2,
           iW1, ib1, iW2, ib2, gW, gb, edge_index):
    n, d = x.shape
    e = M.shape[0]
    nw = V.shape[2]
    v2 = V.reshape(n, 3 * nw)
    row = edge_index[0]
    col = edge_index[1]

    t = _node_table(v2)
    g = _make_sc_gather(n, e)(t, row, col)
    m_out, w = _tc_edge(
        M, g, ln_g.reshape(1, d), ln_b.reshape(1, d),
        mW1, mb1.reshape(1, d), mW2, mb2.reshape(1, d),
        iW1, ib1.reshape(1, d), iW2.reshape(1, d), ib2.reshape(1, 1))
    partials = _make_sc_scatter(n, e, d)(w, row)
    x_out, v2_out = _tc_node(
        partials.reshape(2, n, d), x, v2,
        nW1, nb1.reshape(1, d), nW2, nb2.reshape(1, d),
        gW, gb.reshape(1, 16))
    return (x_out, m_out, v2_out.reshape(n, 3, nw))

# --- scband reference (transcript-rebuilt; emitter-appended) ---
"""Pipeline reference for scband-message-passing-flow-45208825757707 (READ-ONLY COPY).

The authoritative reference and input builder live on the scoring server;
editing this copy changes nothing except your own understanding.
"""

import jax, jax.numpy as jnp
import numpy as np

N = 10000
E = 320000
D = 128
NW = 16


def _init_linear(key, fin, fout):
    kW, kb = jax.random.split(key)
    scale = 1.0 / np.sqrt(fin)
    W = jax.random.normal(kW, (fin, fout), dtype=jnp.float32) * scale
    b = jnp.zeros((fout,), dtype=jnp.float32)
    return W, b


def setup_inputs(seed: int = 0) -> dict:
    key = jax.random.key(seed)
    ks = jax.random.split(key, 16)
    x = jax.random.normal(ks[0], (N, D), dtype=jnp.float32)
    M = jax.random.normal(ks[1], (E, D), dtype=jnp.float32)
    V = jax.random.normal(ks[2], (N, 3, NW), dtype=jnp.float32)
    edge_index = jax.random.randint(ks[3], (2, E), 0, N, dtype=jnp.int32)
    ln_g = jnp.ones((D,), dtype=jnp.float32)
    ln_b = jnp.zeros((D,), dtype=jnp.float32)
    mW1, mb1 = _init_linear(ks[4], D, D)
    mW2, mb2 = _init_linear(ks[5], D, D)
    nW1, nb1 = _init_linear(ks[6], D, D)
    nW2, nb2 = _init_linear(ks[7], D, D)
    iW1, ib1 = _init_linear(ks[8], 3 * NW, D)
    iW2, ib2 = _init_linear(ks[9], D, 1)
    gW, _ = _init_linear(ks[10], D, NW)
    gb = jnp.full((NW,), -2.0, dtype=jnp.float32)
    return {
        'x': x, 'M': M, 'V': V,
        'ln_g': ln_g, 'ln_b': ln_b,
        'mW1': mW1, 'mb1': mb1, 'mW2': mW2, 'mb2': mb2,
        'nW1': nW1, 'nb1': nb1, 'nW2': nW2, 'nb2': nb2,
        'iW1': iW1, 'ib1': ib1, 'iW2': iW2, 'ib2': ib2,
        'gW': gW, 'gb': gb,
        'edge_index': edge_index,
    }


def _layer_norm(t, g, b, eps=1e-5):
    mu = jnp.mean(t, axis=-1, keepdims=True)
    var = jnp.var(t, axis=-1, keepdims=True)
    return (t - mu) / jnp.sqrt(var + eps) * g + b


def reference(x, M, V, ln_g, ln_b, mW1, mb1, mW2, mb2, nW1, nb1, nW2, nb2,
              iW1, ib1, iW2, ib2, gW, gb, edge_index):
    n_nodes = x.shape[0]
    M = _layer_norm(M, ln_g, ln_b)
    # msg_mlp residual (dropout p=0 -> identity)
    h = jax.nn.relu(M @ mW1 + mb1)
    M = M + (h @ mW2 + mb2)
    # edge invariants
    row = edge_index[0]
    col = edge_index[1]
    V_norms = jnp.linalg.norm(V, axis=1)  # (N, NW)
    norms_src = V_norms[row]
    norms_dst = V_norms[col]
    dot_prods = jnp.sum(V[row] * V[col], axis=1)
    denom = norms_src * norms_dst + 1e-08
    cos_sims = dot_prods / denom
    edge_invariants = jnp.concatenate([norms_src, norms_dst, cos_sims], axis=-1)
    ih = jax.nn.relu(edge_invariants @ iW1 + ib1)
    alpha = jax.nn.sigmoid(ih @ iW2 + ib2)  # (E, 1)
    weighted_M = M * alpha
    m_i = jax.ops.segment_sum(weighted_M, row, num_segments=n_nodes)
    nh = jax.nn.relu(m_i @ nW1 + nb1)
    x = x + (nh @ nW2 + nb2)
    gates = jax.nn.sigmoid(x @ gW + gb)  # (N, NW)
    V = V * gates[:, None, :]
    return (x, M, V)

if __name__ == "__main__":
    import jax
    _d = setup_inputs()
    print(jax.jit(kernel)(*tuple(_d.values())))

</pallas_src>

<mosaic_0001>
#map = affine_map<(d0, d1) -> (0, 0)>
#map1 = affine_map<(d0, d1) -> (0)>
module attributes {stable_mosaic.version = 14 : i64} {
  func.func @k(%arg0: i32, %arg1: i32, %arg2: memref<320000x128xf32, #tpu.memory_space<hbm>>, %arg3: memref<320000xi32, #tpu.memory_space<hbm>>, %arg4: memref<20000x128xf32, #tpu.memory_space<hbm>>, %arg5: memref<80xi32, #tpu.memory_space<vmem>>, %arg6: memref<80xi32, #tpu.memory_space<vmem>>, %arg7: memref<80x128xf32, #tpu.memory_space<vmem>>, %arg8: memref<80x128xf32, #tpu.memory_space<vmem>>, %arg9: memref<125x128xf32, #tpu.memory_space<vmem>>, %arg10: memref<10000x128xf32, #tpu.memory_space<vmem_shared>>, %arg11: memref<!tpu.dma_semaphore, #tpu.memory_space<semaphore_mem>>, %arg12: memref<!tpu.dma_semaphore, #tpu.memory_space<semaphore_mem>>) attributes {dimension_semantics = [#tpu.dimension_semantics<core_parallel>, #tpu.dimension_semantics<subcore_parallel>], iteration_bounds = array<i64: 2, 16>, scalar_prefetch = 0 : i64, scratch_operands = 8 : i64, tpu.core_type = #tpu.core_type<sc_vector_subcore>, window_params = [{transform_indices = #map}, {transform_indices = #map1}, {transform_indices = #map}]} {
    %mul3A = arith.constant 2 : i32
    %mul3A_0 = arith.muli %arg1, %mul3A : i32
    %add3A = arith.addi %mul3A_0, %arg0 : i32
    %mul3A_1 = arith.constant 10000 : i32
    %mul3A_2 = arith.muli %add3A, %mul3A_1 : i32
    %add3A_3 = arith.constant 0 : i32
    %add3A_4 = arith.addi %mul3A_2, %add3A_3 : i32
    %dma_start3A = tpu.memref_slice %arg3[%add3A_4] : memref<320000xi32, #tpu.memory_space<hbm>> -> memref<80xi32, #tpu.memory_space<hbm>>
    %dma_start3A_5 = tpu.memref_slice %arg3[%add3A_4] : memref<320000xi32, #tpu.memory_space<hbm>> -> memref<80xi32, #tpu.memory_space<hbm>>
    tpu.enqueue_dma source(%dma_start3A_5 : memref<80xi32, #tpu.memory_space<hbm>>) target(%arg5 : memref<80xi32, #tpu.memory_space<vmem>>) target_semaphore(%arg11 : memref<!tpu.dma_semaphore, #tpu.memory_space<semaphore_mem>>)
    %dma_start3A_6 = arith.constant 0 : i32
    %dma_start3A_7 = tpu.memref_slice %arg2[%add3A_4, %dma_start3A_6] : memref<320000x128xf32, #tpu.memory_space<hbm>> -> memref<80x128xf32, #tpu.memory_space<hbm>>
    %dma_start3A_8 = arith.constant 0 : i32
    %dma_start3A_9 = tpu.memref_slice %arg2[%add3A_4, %dma_start3A_8] : memref<320000x128xf32, #tpu.memory_space<hbm>> -> memref<80x128xf32, #tpu.memory_space<hbm>>
    tpu.enqueue_dma source(%dma_start3A_9 : memref<80x128xf32, #tpu.memory_space<hbm>>) target(%arg7 : memref<80x128xf32, #tpu.memory_space<vmem>>) target_semaphore(%arg11 : memref<!tpu.dma_semaphore, #tpu.memory_space<semaphore_mem>>)
    %add3A_10 = arith.constant 80 : i32
    %add3A_11 = arith.addi %mul3A_2, %add3A_10 : i32
    %dma_start3A_12 = tpu.memref_slice %arg3[%add3A_11] : memref<320000xi32, #tpu.memory_space<hbm>> -> memref<80xi32, #tpu.memory_space<hbm>>
    %dma_start3A_13 = tpu.memref_slice %arg3[%add3A_11] : memref<320000xi32, #tpu.memory_space<hbm>> -> memref<80xi32, #tpu.memory_space<hbm>>
    tpu.enqueue_dma source(%dma_start3A_13 : memref<80xi32, #tpu.memory_space<hbm>>) target(%arg6 : memref<80xi32, #tpu.memory_space<vmem>>) target_semaphore(%arg12 : memref<!tpu.dma_semaphore, #tpu.memory_space<semaphore_mem>>)
    %dma_start3A_14 = arith.constant 0 : i32
    %dma_start3A_15 = tpu.memref_slice %arg2[%add3A_11, %dma_start3A_14] : memref<320000x128xf32, #tpu.memory_space<hbm>> -> memref<80x128xf32, #tpu.memory_space<hbm>>
    %dma_start3A_16 = arith.constant 0 : i32
    %dma_start3A_17 = tpu.memref_slice %arg2[%add3A_11, %dma_start3A_16] : memref<320000x128xf32, #tpu.memory_space<hbm>> -> memref<80x128xf32, #tpu.memory_space<hbm>>
    tpu.enqueue_dma source(%dma_start3A_17 : memref<80x128xf32, #tpu.memory_space<hbm>>) target(%arg8 : memref<80x128xf32, #tpu.memory_space<vmem>>) target_semaphore(%arg12 : memref<!tpu.dma_semaphore, #tpu.memory_space<semaphore_mem>>)
    %scan3A = arith.constant 0 : i32
    %scan3A_18 = arith.constant 0 : i32
    %scan3A_19 = arith.constant 125 : i32
    %scan3A_20 = arith.addi %scan3A_18, %scan3A_19 : i32
    %scan3A_21 = arith.constant 1 : i32
    scf.for %scan3A_66 = %scan3A_18 to %scan3A_20 step %scan3A_21  : i32 {
      %broadcast_in_dim3A = arith.constant 0.000000e+00 : f32
      %broadcast_in_dim3A_67 = vector.broadcast %broadcast_in_dim3A : f32 to vector<16xf32>
      %swap3A = arith.index_cast %scan3A_66 : i32 to index
      %swap3A_68 = arith.constant 0 : index
      %swap3A_69 = tpu.vector_load %arg9[%swap3A, %swap3A_68] {strides = array<i32>} : memref<125x128xf32, #tpu.memory_space<vmem>>, vector<16xf32>,
      tpu.vector_store %arg9[%swap3A, %swap3A_68], %broadcast_in_dim3A_67 {strides = array<i32>} : memref<125x128xf32, #tpu.memory_space<vmem>>, vector<16xf32>,
      %broadcast_in_dim3A_70 = arith.constant 0.000000e+00 : f32
      %broadcast_in_dim3A_71 = vector.broadcast %broadcast_in_dim3A_70 : f32 to vector<16xf32>
      %swap3A_72 = arith.index_cast %scan3A_66 : i32 to index
      %swap3A_73 = arith.constant 16 : index
      %swap3A_74 = tpu.vector_load %arg9[%swap3A_72, %swap3A_73] {strides = array<i32>} : memref<125x128xf32, #tpu.memory_space<vmem>>, vector<16xf32>,
      tpu.vector_store %arg9[%swap3A_72, %swap3A_73], %broadcast_in_dim3A_71 {strides = array<i32>} : memref<125x128xf32, #tpu.memory_space<vmem>>, vector<16xf32>,
      %broadcast_in_dim3A_75 = arith.constant 0.000000e+00 : f32
      %broadcast_in_dim3A_76 = vector.broadcast %broadcast_in_dim3A_75 : f32 to vector<16xf32>
      %swap3A_77 = arith.index_cast %scan3A_66 : i32 to index
      %swap3A_78 = arith.constant 32 : index
      %swap3A_79 = tpu.vector_load %arg9[%swap3A_77, %swap3A_78] {strides = array<i32>} : memref<125x128xf32, #tpu.memory_space<vmem>>, vector<16xf32>,
      tpu.vector_store %arg9[%swap3A_77, %swap3A_78], %broadcast_in_dim3A_76 {strides = array<i32>} : memref<125x128xf32, #tpu.memory_space<vmem>>, vector<16xf32>,
      %broadcast_in_dim3A_80 = arith.constant 0.000000e+00 : f32
      %broadcast_in_dim3A_81 = vector.broadcast %broadcast_in_dim3A_80 : f32 to vector<16xf32>
      %swap3A_82 = arith.index_cast %scan3A_66 : i32 to index
      %swap3A_83 = arith.constant 48 : index
      %swap3A_84 = tpu.vector_load %arg9[%swap3A_82, %swap3A_83] {strides = array<i32>} : memref<125x128xf32, #tpu.memory_space<vmem>>, vector<16xf32>,
      tpu.vector_store %arg9[%swap3A_82, %swap3A_83], %broadcast_in_dim3A_81 {strides = array<i32>} : memref<125x128xf32, #tpu.memory_space<vmem>>, vector<16xf32>,
      %broadcast_in_dim3A_85 = arith.constant 0.000000e+00 : f32
      %broadcast_in_dim3A_86 = vector.broadcast %broadcast_in_dim3A_85 : f32 to vector<16xf32>
      %swap3A_87 = arith.index_cast %scan3A_66 : i32 to index
      %swap3A_88 = arith.constant 64 : index
      %swap3A_89 = tpu.vector_load %arg9[%swap3A_87, %swap3A_88] {strides = array<i32>} : memref<125x128xf32, #tpu.memory_space<vmem>>, vector<16xf32>,
      tpu.vector_store %arg9[%swap3A_87, %swap3A_88], %broadcast_in_dim3A_86 {strides = array<i32>} : memref<125x128xf32, #tpu.memory_space<vmem>>, vector<16xf32>,
      %broadcast_in_dim3A_90 = arith.constant 0.000000e+00 : f32
      %broadcast_in_dim3A_91 = vector.broadcast %broadcast_in_dim3A_90 : f32 to vector<16xf32>
      %swap3A_92 = arith.index_cast %scan3A_66 : i32 to index
      %swap3A_93 = arith.constant 80 : index
      %swap3A_94 = tpu.vector_load %arg9[%swap3A_92, %swap3A_93] {strides = array<i32>} : memref<125x128xf32, #tpu.memory_space<vmem>>, vector<16xf32>,
      tpu.vector_store %arg9[%swap3A_92, %swap3A_93], %broadcast_in_dim3A_91 {strides = array<i32>} : memref<125x128xf32, #tpu.memory_space<vmem>>, vector<16xf32>,
      %broadcast_in_dim3A_95 = arith.constant 0.000000e+00 : f32
      %broadcast_in_dim3A_96 = vector.broadcast %broadcast_in_dim3A_95 : f32 to vector<16xf32>
      %swap3A_97 = arith.index_cast %scan3A_66 : i32 to index
      %swap3A_98 = arith.constant 96 : index
      %swap3A_99 = tpu.vector_load %arg9[%swap3A_97, %swap3A_98] {strides = array<i32>} : memref<125x128xf32, #tpu.memory_space<vmem>>, vector<16xf32>,
      tpu.vector_store %arg9[%swap3A_97, %swap3A_98], %broadcast_in_dim3A_96 {strides = array<i32>} : memref<125x128xf32, #tpu.memory_space<vmem>>, vector<16xf32>,
      %broadcast_in_dim3A_100 = arith.constant 0.000000e+00 : f32
      %broadcast_in_dim3A_101 = vector.broadcast %broadcast_in_dim3A_100 : f32 to vector<16xf32>
      %swap3A_102 = arith.index_cast %scan3A_66 : i32 to index
      %swap3A_103 = arith.constant 112 : index
      %swap3A_104 = tpu.vector_load %arg9[%swap3A_102, %swap3A_103] {strides = array<i32>} : memref<125x128xf32, #tpu.memory_space<vmem>>, vector<16xf32>,
      tpu.vector_store %arg9[%swap3A_102, %swap3A_103], %broadcast_in_dim3A_101 {strides = array<i32>} : memref<125x128xf32, #tpu.memory_space<vmem>>, vector<16xf32>,
    }
    %scan3A_22 = arith.constant 125 : i32
    %mul3A_23 = arith.constant 625 : i32
    %mul3A_24 = arith.muli %arg1, %mul3A_23 : i32
    %add3A_25 = arith.constant 0 : i32
    %add3A_26 = arith.addi %mul3A_24, %add3A_25 : i32
    "tpu.region"() ({
      %run_scoped3A = tpu.sem_alloc : memref<!tpu.dma_semaphore, #tpu.memory_space<semaphore_mem>>
      %dma_start3A_66 = arith.constant 0 : i32
      %dma_start3A_67 = tpu.memref_slice %arg10[%add3A_26, %dma_start3A_66] : memref<10000x128xf32, #tpu.memory_space<vmem_shared>> -> memref<125x128xf32, #tpu.memory_space<vmem_shared>>
      %dma_start3A_68 = arith.constant 0 : i32
      %dma_start3A_69 = tpu.memref_slice %arg10[%add3A_26, %dma_start3A_68] : memref<10000x128xf32, #tpu.memory_space<vmem_shared>> -> memref<125x128xf32, #tpu.memory_space<vmem_shared>>
      tpu.enqueue_dma source(%arg9 : memref<125x128xf32, #tpu.memory_space<vmem>>) target(%dma_start3A_69 : memref<125x128xf32, #tpu.memory_space<vmem_shared>>) target_semaphore(%run_scoped3A : memref<!tpu.dma_semaphore, #tpu.memory_space<semaphore_mem>>)
      %dma_wait3A_70 = arith.constant 0 : i32
      %dma_wait3A_71 = tpu.memref_slice %arg10[%add3A_26, %dma_wait3A_70] : memref<10000x128xf32, #tpu.memory_space<vmem_shared>> -> memref<125x128xf32, #tpu.memory_space<vmem_shared>>
      %dma_wait3A_72 = arith.constant 0 : i32
      %dma_wait3A_73 = tpu.memref_slice %arg10[%add3A_26, %dma_wait3A_72] : memref<10000x128xf32, #tpu.memory_space<vmem_shared>> -> memref<125x128xf32, #tpu.memory_space<vmem_shared>>
      tpu.wait_dma2 semaphore(%run_scoped3A : memref<!tpu.dma_semaphore, #tpu.memory_space<semaphore_mem>>) src(%arg9 : memref<125x128xf32, #tpu.memory_space<vmem>>) dst(%dma_wait3A_73 : memref<125x128xf32, #tpu.memory_space<vmem_shared>>)
      tpu.yield
    }) : () -> ()
    %mul3A_27 = arith.constant 625 : i32
    %mul3A_28 = arith.muli %arg1, %mul3A_27 : i32
    %add3A_29 = arith.constant 125 : i32
    %add3A_30 = arith.addi %mul3A_28, %add3A_29 : i32
    "tpu.region"() ({
      %run_scoped3A = tpu.sem_alloc : memref<!tpu.dma_semaphore, #tpu.memory_space<semaphore_mem>>
      %dma_start3A_66 = arith.constant 0 : i32
      %dma_start3A_67 = tpu.memref_slice %arg10[%add3A_30, %dma_start3A_66] : memref<10000x128xf32, #tpu.memory_space<vmem_shared>> -> memref<125x128xf32, #tpu.memory_space<vmem_shared>>
      %dma_start3A_68 = arith.constant 0 : i32
      %dma_start3A_69 = tpu.memref_slice %arg10[%add3A_30, %dma_start3A_68] : memref<10000x128xf32, #tpu.memory_space<vmem_shared>> -> memref<125x128xf32, #tpu.memory_space<vmem_shared>>
      tpu.enqueue_dma source(%arg9 : memref<125x128xf32, #tpu.memory_space<vmem>>) target(%dma_start3A_69 : memref<125x128xf32, #tpu.memory_space<vmem_shared>>) target_semaphore(%run_scoped3A : memref<!tpu.dma_semaphore, #tpu.memory_space<semaphore_mem>>)
      %dma_wait3A_70 = arith.constant 0 : i32
      %dma_wait3A_71 = tpu.memref_slice %arg10[%add3A_30, %dma_wait3A_70] : memref<10000x128xf32, #tpu.memory_space<vmem_shared>> -> memref<125x128xf32, #tpu.memory_space<vmem_shared>>
      %dma_wait3A_72 = arith.constant 0 : i32
      %dma_wait3A_73 = tpu.memref_slice %arg10[%add3A_30, %dma_wait3A_72] : memref<10000x128xf32, #tpu.memory_space<vmem_shared>> -> memref<125x128xf32, #tpu.memory_space<vmem_shared>>
      tpu.wait_dma2 semaphore(%run_scoped3A : memref<!tpu.dma_semaphore, #tpu.memory_space<semaphore_mem>>) src(%arg9 : memref<125x128xf32, #tpu.memory_space<vmem>>) dst(%dma_wait3A_73 : memref<125x128xf32, #tpu.memory_space<vmem_shared>>)
      tpu.yield
    }) : () -> ()
    %mul3A_31 = arith.constant 625 : i32
    %mul3A_32 = arith.muli %arg1, %mul3A_31 : i32
    %add3A_33 = arith.constant 250 : i32
    %add3A_34 = arith.addi %mul3A_32, %add3A_33 : i32
    "tpu.region"() ({
      %run_scoped3A = tpu.sem_alloc : memref<!tpu.dma_semaphore, #tpu.memory_space<semaphore_mem>>
      %dma_start3A_66 = arith.constant 0 : i32
      %dma_start3A_67 = tpu.memref_slice %arg10[%add3A_34, %dma_start3A_66] : memref<10000x128xf32, #tpu.memory_space<vmem_shared>> -> memref<125x128xf32, #tpu.memory_space<vmem_shared>>
      %dma_start3A_68 = arith.constant 0 : i32
      %dma_start3A_69 = tpu.memref_slice %arg10[%add3A_34, %dma_start3A_68] : memref<10000x128xf32, #tpu.memory_space<vmem_shared>> -> memref<125x128xf32, #tpu.memory_space<vmem_shared>>
      tpu.enqueue_dma source(%arg9 : memref<125x128xf32, #tpu.memory_space<vmem>>) target(%dma_start3A_69 : memref<125x128xf32, #tpu.memory_space<vmem_shared>>) target_semaphore(%run_scoped3A : memref<!tpu.dma_semaphore, #tpu.memory_space<semaphore_mem>>)
      %dma_wait3A_70 = arith.constant 0 : i32
      %dma_wait3A_71 = tpu.memref_slice %arg10[%add3A_34, %dma_wait3A_70] : memref<10000x128xf32, #tpu.memory_space<vmem_shared>> -> memref<125x128xf32, #tpu.memory_space<vmem_shared>>
      %dma_wait3A_72 = arith.constant 0 : i32
      %dma_wait3A_73 = tpu.memref_slice %arg10[%add3A_34, %dma_wait3A_72] : memref<10000x128xf32, #tpu.memory_space<vmem_shared>> -> memref<125x128xf32, #tpu.memory_space<vmem_shared>>
      tpu.wait_dma2 semaphore(%run_scoped3A : memref<!tpu.dma_semaphore, #tpu.memory_space<semaphore_mem>>) src(%arg9 : memref<125x128xf32, #tpu.memory_space<vmem>>) dst(%dma_wait3A_73 : memref<125x128xf32, #tpu.memory_space<vmem_shared>>)
      tpu.yield
    }) : () -> ()
    %mul3A_35 = arith.constant 625 : i32
    %mul3A_36 = arith.muli %arg1, %mul3A_35 : i32
    %add3A_37 = arith.constant 375 : i32
    %add3A_38 = arith.addi %mul3A_36, %add3A_37 : i32
    "tpu.region"() ({
      %run_scoped3A = tpu.sem_alloc : memref<!tpu.dma_semaphore, #tpu.memory_space<semaphore_mem>>
      %dma_start3A_66 = arith.constant 0 : i32
      %dma_start3A_67 = tpu.memref_slice %arg10[%add3A_38, %dma_start3A_66] : memref<10000x128xf32, #tpu.memory_space<vmem_shared>> -> memref<125x128xf32, #tpu.memory_space<vmem_shared>>
      %dma_start3A_68 = arith.constant 0 : i32
      %dma_start3A_69 = tpu.memref_slice %arg10[%add3A_38, %dma_start3A_68] : memref<10000x128xf32, #tpu.memory_space<vmem_shared>> -> memref<125x128xf32, #tpu.memory_space<vmem_shared>>
      tpu.enqueue_dma source(%arg9 : memref<125x128xf32, #tpu.memory_space<vmem>>) target(%dma_start3A_69 : memref<125x128xf32, #tpu.memory_space<vmem_shared>>) target_semaphore(%run_scoped3A : memref<!tpu.dma_semaphore, #tpu.memory_space<semaphore_mem>>)
      %dma_wait3A_70 = arith.constant 0 : i32
      %dma_wait3A_71 = tpu.memref_slice %arg10[%add3A_38, %dma_wait3A_70] : memref<10000x128xf32, #tpu.memory_space<vmem_shared>> -> memref<125x128xf32, #tpu.memory_space<vmem_shared>>
      %dma_wait3A_72 = arith.constant 0 : i32
      %dma_wait3A_73 = tpu.memref_slice %arg10[%add3A_38, %dma_wait3A_72] : memref<10000x128xf32, #tpu.memory_space<vmem_shared>> -> memref<125x128xf32, #tpu.memory_space<vmem_shared>>
      tpu.wait_dma2 semaphore(%run_scoped3A : memref<!tpu.dma_semaphore, #tpu.memory_space<semaphore_mem>>) src(%arg9 : memref<125x128xf32, #tpu.memory_space<vmem>>) dst(%dma_wait3A_73 : memref<125x128xf32, #tpu.memory_space<vmem_shared>>)
      tpu.yield
    }) : () -> ()
    %mul3A_39 = arith.constant 625 : i32
    %mul3A_40 = arith.muli %arg1, %mul3A_39 : i32
    %add3A_41 = arith.constant 500 : i32
    %add3A_42 = arith.addi %mul3A_40, %add3A_41 : i32
    "tpu.region"() ({
      %run_scoped3A = tpu.sem_alloc : memref<!tpu.dma_semaphore, #tpu.memory_space<semaphore_mem>>
      %dma_start3A_66 = arith.constant 0 : i32
      %dma_start3A_67 = tpu.memref_slice %arg10[%add3A_42, %dma_start3A_66] : memref<10000x128xf32, #tpu.memory_space<vmem_shared>> -> memref<125x128xf32, #tpu.memory_space<vmem_shared>>
      %dma_start3A_68 = arith.constant 0 : i32
      %dma_start3A_69 = tpu.memref_slice %arg10[%add3A_42, %dma_start3A_68] : memref<10000x128xf32, #tpu.memory_space<vmem_shared>> -> memref<125x128xf32, #tpu.memory_space<vmem_shared>>
      tpu.enqueue_dma source(%arg9 : memref<125x128xf32, #tpu.memory_space<vmem>>) target(%dma_start3A_69 : memref<125x128xf32, #tpu.memory_space<vmem_shared>>) target_semaphore(%run_scoped3A : memref<!tpu.dma_semaphore, #tpu.memory_space<semaphore_mem>>)
      %dma_wait3A_70 = arith.constant 0 : i32
      %dma_wait3A_71 = tpu.memref_slice %arg10[%add3A_42, %dma_wait3A_70] : memref<10000x128xf32, #tpu.memory_space<vmem_shared>> -> memref<125x128xf32, #tpu.memory_space<vmem_shared>>
      %dma_wait3A_72 = arith.constant 0 : i32
      %dma_wait3A_73 = tpu.memref_slice %arg10[%add3A_42, %dma_wait3A_72] : memref<10000x128xf32, #tpu.memory_space<vmem_shared>> -> memref<125x128xf32, #tpu.memory_space<vmem_shared>>
      tpu.wait_dma2 semaphore(%run_scoped3A : memref<!tpu.dma_semaphore, #tpu.memory_space<semaphore_mem>>) src(%arg9 : memref<125x128xf32, #tpu.memory_space<vmem>>) dst(%dma_wait3A_73 : memref<125x128xf32, #tpu.memory_space<vmem_shared>>)
      tpu.yield
    }) : () -> ()
    %barrier3A = arith.constant 0 : index
    tpu.barrier barrier_id(%barrier3A)
    %scan3A_43 = arith.constant 0 : i32
    %scan3A_44 = arith.constant 0 : i32
    %scan3A_45 = arith.constant 62 : i32
    %scan3A_46 = arith.addi %scan3A_44, %scan3A_45 : i32
    %scan3A_47 = arith.constant 1 : i32
    scf.for %scan3A_66 = %scan3A_44 to %scan3A_46 step %scan3A_47  : i32 {
      %mul3A_67 = arith.constant 2 : i32
      %mul3A_68 = arith.muli %mul3A_67, %scan3A_66 : i32
      %add3A_69 = arith.constant 0 : i32
      %add3A_70 = arith.addi %mul3A_68, %add3A_69 : i32
      %dma_wait3A_71 = arith.constant 0 : i32
      %dma_wait3A_72 = tpu.memref_slice %arg3[%dma_wait3A_71] : memref<320000xi32, #tpu.memory_space<hbm>> -> memref<80xi32, #tpu.memory_space<hbm>>
      %dma_wait3A_73 = arith.constant 0 : i32
      %dma_wait3A_74 = tpu.memref_slice %arg3[%dma_wait3A_73] : memref<320000xi32, #tpu.memory_space<hbm>> -> memref<80xi32, #tpu.memory_space<hbm>>
      tpu.wait_dma2 semaphore(%arg11 : memref<!tpu.dma_semaphore, #tpu.memory_space<semaphore_mem>>) src(%dma_wait3A_74 : memref<80xi32, #tpu.memory_space<hbm>>) dst(%arg5 : memref<80xi32, #tpu.memory_space<vmem>>)
      %dma_wait3A_75 = arith.constant 0 : i32
      %dma_wait3A_76 = arith.constant 0 : i32
      %dma_wait3A_77 = tpu.memref_slice %arg2[%dma_wait3A_75, %dma_wait3A_76] : memref<320000x128xf32, #tpu.memory_space<hbm>> -> memref<80x128xf32, #tpu.memory_space<hbm>>
      %dma_wait3A_78 = arith.constant 0 : i32
      %dma_wait3A_79 = arith.constant 0 : i32
      %dma_wait3A_80 = tpu.memref_slice %arg2[%dma_wait3A_78, %dma_wait3A_79] : memref<320000x128xf32, #tpu.memory_space<hbm>> -> memref<80x128xf32, #tpu.memory_space<hbm>>
      tpu.wait_dma2 semaphore(%arg11 : memref<!tpu.dma_semaphore, #tpu.memory_space<semaphore_mem>>) src(%dma_wait3A_80 : memref<80x128xf32, #tpu.memory_space<hbm>>) dst(%arg7 : memref<80x128xf32, #tpu.memory_space<vmem>>)
      "tpu.region"() ({
        %run_scoped3A = tpu.sem_alloc : memref<!tpu.dma_semaphore, #tpu.memory_space<semaphore_mem>>
        %dma_start3A_106 = arith.constant 0 : i32
        %dma_start3A_107 = arith.constant 0 : i32
        %dma_start3A_108 = tpu.memref_slice %arg10[%dma_start3A_106, %dma_start3A_107] : memref<10000x128xf32, #tpu.memory_space<vmem_shared>> -> memref<10000x128xf32, #tpu.memory_space<vmem_shared>>
        tpu.enqueue_indirect_dma source(%arg7 : memref<80x128xf32, #tpu.memory_space<vmem>>) target(%dma_start3A_108 : memref<10000x128xf32, #tpu.memory_space<vmem_shared>>) offsets(%arg5 : memref<80xi32, #tpu.memory_space<vmem>>) semaphore(%run_scoped3A : memref<!tpu.dma_semaphore, #tpu.memory_space<semaphore_mem>>) {add = true}
        %dma_wait3A_109 = arith.constant 0 : i32
        %dma_wait3A_110 = arith.constant 0 : i32
        %dma_wait3A_111 = tpu.memref_slice %arg10[%dma_wait3A_109, %dma_wait3A_110] : memref<10000x128xf32, #tpu.memory_space<vmem_shared>> -> memref<10000x128xf32, #tpu.memory_space<vmem_shared>>
        tpu.wait_indirect_dma semaphore(%run_scoped3A : memref<!tpu.dma_semaphore, #tpu.memory_space<semaphore_mem>>) src(%arg7 : memref<80x128xf32, #tpu.memory_space<vmem>>) dst(%dma_wait3A_111 : memref<10000x128xf32, #tpu.memory_space<vmem_shared>>)
        tpu.yield
      }) : () -> ()
      %add3A_81 = arith.constant 2 : i32
      %add3A_82 = arith.addi %add3A_70, %add3A_81 : i32
      %lt3A = arith.constant 125 : i32
      %lt3A_83 = arith.cmpi slt, %add3A_82, %lt3A : i32
      %convert_element_type3A = arith.extui %lt3A_83 : i1 to i32
      %cond3A = arith.constant 0 : i32
      %cond3A_84 = arith.cmpi ne, %convert_element_type3A, %cond3A : i32
      scf.if %cond3A_84 {
        %add3A_106 = arith.constant 2 : i32
        %add3A_107 = arith.addi %add3A_70, %add3A_106 : i32
        %mul3A_108 = arith.constant 80 : i32
        %mul3A_109 = arith.muli %add3A_107, %mul3A_108 : i32
        %add3A_110 = arith.addi %mul3A_2, %mul3A_109 : i32
        %dma_start3A_111 = tpu.memref_slice %arg3[%add3A_110] : memref<320000xi32, #tpu.memory_space<hbm>> -> memref<80xi32, #tpu.memory_space<hbm>>
        %dma_start3A_112 = tpu.memref_slice %arg3[%add3A_110] : memref<320000xi32, #tpu.memory_space<hbm>> -> memref<80xi32, #tpu.memory_space<hbm>>
        tpu.enqueue_dma source(%dma_start3A_112 : memref<80xi32, #tpu.memory_space<hbm>>) target(%arg5 : memref<80xi32, #tpu.memory_space<vmem>>) target_semaphore(%arg11 : memref<!tpu.dma_semaphore, #tpu.memory_space<semaphore_mem>>)
        %dma_start3A_113 = arith.constant 0 : i32
        %dma_start3A_114 = tpu.memref_slice %arg2[%add3A_110, %dma_start3A_113] : memref<320000x128xf32, #tpu.memory_space<hbm>> -> memref<80x128xf32, #tpu.memory_space<hbm>>
        %dma_start3A_115 = arith.constant 0 : i32
        %dma_start3A_116 = tpu.memref_slice %arg2[%add3A_110, %dma_start3A_115] : memref<320000x128xf32, #tpu.memory_space<hbm>> -> memref<80x128xf32, #tpu.memory_space<hbm>>
        tpu.enqueue_dma source(%dma_start3A_116 : memref<80x128xf32, #tpu.memory_space<hbm>>) target(%arg7 : memref<80x128xf32, #tpu.memory_space<vmem>>) target_semaphore(%arg11 : memref<!tpu.dma_semaphore, #tpu.memory_space<semaphore_mem>>)
      } else {
      }
      %mul3A_85 = arith.constant 2 : i32
      %mul3A_86 = arith.muli %mul3A_85, %scan3A_66 : i32
      %add3A_87 = arith.constant 1 : i32
      %add3A_88 = arith.addi %mul3A_86, %add3A_87 : i32
      %dma_wait3A_89 = arith.constant 0 : i32
      %dma_wait3A_90 = tpu.memref_slice %arg3[%dma_wait3A_89] : memref<320000xi32, #tpu.memory_space<hbm>> -> memref<80xi32, #tpu.memory_space<hbm>>
      %dma_wait3A_91 = arith.constant 0 : i32
      %dma_wait3A_92 = tpu.memref_slice %arg3[%dma_wait3A_91] : memref<320000xi32, #tpu.memory_space<hbm>> -> memref<80xi32, #tpu.memory_space<hbm>>
      tpu.wait_dma2 semaphore(%arg12 : memref<!tpu.dma_semaphore, #tpu.memory_space<semaphore_mem>>) src(%dma_wait3A_92 : memref<80xi32, #tpu.memory_space<hbm>>) dst(%arg6 : memref<80xi32, #tpu.memory_space<vmem>>)
      %dma_wait3A_93 = arith.constant 0 : i32
      %dma_wait3A_94 = arith.constant 0 : i32
      %dma_wait3A_95 = tpu.memref_slice %arg2[%dma_wait3A_93, %dma_wait3A_94] : memref<320000x128xf32, #tpu.memory_space<hbm>> -> memref<80x128xf32, #tpu.memory_space<hbm>>
      %dma_wait3A_96 = arith.constant 0 : i32
      %dma_wait3A_97 = arith.constant 0 : i32
      %dma_wait3A_98 = tpu.memref_slice %arg2[%dma_wait3A_96, %dma_wait3A_97] : memref<320000x128xf32, #tpu.memory_space<hbm>> -> memref<80x128xf32, #tpu.memory_space<hbm>>
      tpu.wait_dma2 semaphore(%arg12 : memref<!tpu.dma_semaphore, #tpu.memory_space<semaphore_mem>>) src(%dma_wait3A_98 : memref<80x128xf32, #tpu.memory_space<hbm>>) dst(%arg8 : memref<80x128xf32, #tpu.memory_space<vmem>>)
      "tpu.region"() ({
        %run_scoped3A = tpu.sem_alloc : memref<!tpu.dma_semaphore, #tpu.memory_space<semaphore_mem>>
        %dma_start3A_106 = arith.constant 0 : i32
        %dma_start3A_107 = arith.constant 0 : i32
        %dma_start3A_108 = tpu.memref_slice %arg10[%dma_start3A_106, %dma_start3A_107] : memref<10000x128xf32, #tpu.memory_space<vmem_shared>> -> memref<10000x128xf32, #tpu.memory_space<vmem_shared>>
        tpu.enqueue_indirect_dma source(%arg8 : memref<80x128xf32, #tpu.memory_space<vmem>>) target(%dma_start3A_108 : memref<10000x128xf32, #tpu.memory_space<vmem_shared>>) offsets(%arg6 : memref<80xi32, #tpu.memory_space<vmem>>) semaphore(%run_scoped3A : memref<!tpu.dma_semaphore, #tpu.memory_space<semaphore_mem>>) {add = true}
        %dma_wait3A_109 = arith.constant 0 : i32
        %dma_wait3A_110 = arith.constant 0 : i32
        %dma_wait3A_111 = tpu.memref_slice %arg10[%dma_wait3A_109, %dma_wait3A_110] : memref<10000x128xf32, #tpu.memory_space<vmem_shared>> -> memref<10000x128xf32, #tpu.memory_space<vmem_shared>>
        tpu.wait_indirect_dma semaphore(%run_scoped3A : memref<!tpu.dma_semaphore, #tpu.memory_space<semaphore_mem>>) src(%arg8 : memref<80x128xf32, #tpu.memory_space<vmem>>) dst(%dma_wait3A_111 : memref<10000x128xf32, #tpu.memory_space<vmem_shared>>)
        tpu.yield
      }) : () -> ()
      %add3A_99 = arith.constant 2 : i32
      %add3A_100 = arith.addi %add3A_88, %add3A_99 : i32
      %lt3A_101 = arith.constant 125 : i32
      %lt3A_102 = arith.cmpi slt, %add3A_100, %lt3A_101 : i32
      %convert_element_type3A_103 = arith.extui %lt3A_102 : i1 to i32
      %cond3A_104 = arith.constant 0 : i32
      %cond3A_105 = arith.cmpi ne, %convert_element_type3A_103, %cond3A_104 : i32
      scf.if %cond3A_105 {
        %add3A_106 = arith.constant 2 : i32
        %add3A_107 = arith.addi %add3A_88, %add3A_106 : i32
        %mul3A_108 = arith.constant 80 : i32
        %mul3A_109 = arith.muli %add3A_107, %mul3A_108 : i32
        %add3A_110 = arith.addi %mul3A_2, %mul3A_109 : i32
        %dma_start3A_111 = tpu.memref_slice %arg3[%add3A_110] : memref<320000xi32, #tpu.memory_space<hbm>> -> memref<80xi32, #tpu.memory_space<hbm>>
        %dma_start3A_112 = tpu.memref_slice %arg3[%add3A_110] : memref<320000xi32, #tpu.memory_space<hbm>> -> memref<80xi32, #tpu.memory_space<hbm>>
        tpu.enqueue_dma source(%dma_start3A_112 : memref<80xi32, #tpu.memory_space<hbm>>) target(%arg6 : memref<80xi32, #tpu.memory_space<vmem>>) target_semaphore(%arg12 : memref<!tpu.dma_semaphore, #tpu.memory_space<semaphore_mem>>)
        %dma_start3A_113 = arith.constant 0 : i32
        %dma_start3A_114 = tpu.memref_slice %arg2[%add3A_110, %dma_start3A_113] : memref<320000x128xf32, #tpu.memory_space<hbm>> -> memref<80x128xf32, #tpu.memory_space<hbm>>
        %dma_start3A_115 = arith.constant 0 : i32
        %dma_start3A_116 = tpu.memref_slice %arg2[%add3A_110, %dma_start3A_115] : memref<320000x128xf32, #tpu.memory_space<hbm>> -> memref<80x128xf32, #tpu.memory_space<hbm>>
        tpu.enqueue_dma source(%dma_start3A_116 : memref<80x128xf32, #tpu.memory_space<hbm>>) target(%arg8 : memref<80x128xf32, #tpu.memory_space<vmem>>) target_semaphore(%arg12 : memref<!tpu.dma_semaphore, #tpu.memory_space<semaphore_mem>>)
      } else {
      }
    }
    %scan3A_48 = arith.constant 62 : i32
    %dma_wait3A = arith.constant 0 : i32
    %dma_wait3A_49 = tpu.memref_slice %arg3[%dma_wait3A] : memref<320000xi32, #tpu.memory_space<hbm>> -> memref<80xi32, #tpu.memory_space<hbm>>
    %dma_wait3A_50 = arith.constant 0 : i32
    %dma_wait3A_51 = tpu.memref_slice %arg3[%dma_wait3A_50] : memref<320000xi32, #tpu.memory_space<hbm>> -> memref<80xi32, #tpu.memory_space<hbm>>
    tpu.wait_dma2 semaphore(%arg11 : memref<!tpu.dma_semaphore, #tpu.memory_space<semaphore_mem>>) src(%dma_wait3A_51 : memref<80xi32, #tpu.memory_space<hbm>>) dst(%arg5 : memref<80xi32, #tpu.memory_space<vmem>>)
    %dma_wait3A_52 = arith.constant 0 : i32
    %dma_wait3A_53 = arith.constant 0 : i32
    %dma_wait3A_54 = tpu.memref_slice %arg2[%dma_wait3A_52, %dma_wait3A_53] : memref<320000x128xf32, #tpu.memory_space<hbm>> -> memref<80x128xf32, #tpu.memory_space<hbm>>
    %dma_wait3A_55 = arith.constant 0 : i32
    %dma_wait3A_56 = arith.constant 0 : i32
    %dma_wait3A_57 = tpu.memref_slice %arg2[%dma_wait3A_55, %dma_wait3A_56] : memref<320000x128xf32, #tpu.memory_space<hbm>> -> memref<80x128xf32, #tpu.memory_space<hbm>>
    tpu.wait_dma2 semaphore(%arg11 : memref<!tpu.dma_semaphore, #tpu.memory_space<semaphore_mem>>) src(%dma_wait3A_57 : memref<80x128xf32, #tpu.memory_space<hbm>>) dst(%arg7 : memref<80x128xf32, #tpu.memory_space<vmem>>)
    "tpu.region"() ({
      %run_scoped3A = tpu.sem_alloc : memref<!tpu.dma_semaphore, #tpu.memory_space<semaphore_mem>>
      %dma_start3A_66 = arith.constant 0 : i32
      %dma_start3A_67 = arith.constant 0 : i32
      %dma_start3A_68 = tpu.memref_slice %arg10[%dma_start3A_66, %dma_start3A_67] : memref<10000x128xf32, #tpu.memory_space<vmem_shared>> -> memref<10000x128xf32, #tpu.memory_space<vmem_shared>>
      tpu.enqueue_indirect_dma source(%arg7 : memref<80x128xf32, #tpu.memory_space<vmem>>) target(%dma_start3A_68 : memref<10000x128xf32, #tpu.memory_space<vmem_shared>>) offsets(%arg5 : memref<80xi32, #tpu.memory_space<vmem>>) semaphore(%run_scoped3A : memref<!tpu.dma_semaphore, #tpu.memory_space<semaphore_mem>>) {add = true}
      %dma_wait3A_69 = arith.constant 0 : i32
      %dma_wait3A_70 = arith.constant 0 : i32
      %dma_wait3A_71 = tpu.memref_slice %arg10[%dma_wait3A_69, %dma_wait3A_70] : memref<10000x128xf32, #tpu.memory_space<vmem_shared>> -> memref<10000x128xf32, #tpu.memory_space<vmem_shared>>
      tpu.wait_indirect_dma semaphore(%run_scoped3A : memref<!tpu.dma_semaphore, #tpu.memory_space<semaphore_mem>>) src(%arg7 : memref<80x128xf32, #tpu.memory_space<vmem>>) dst(%dma_wait3A_71 : memref<10000x128xf32, #tpu.memory_space<vmem_shared>>)
      tpu.yield
    }) : () -> ()
    %barrier3A_58 = arith.constant 0 : index
    tpu.barrier barrier_id(%barrier3A_58)
    %mul3A_59 = arith.constant 625 : i32
    %mul3A_60 = arith.muli %arg1, %mul3A_59 : i32
    %mul3A_61 = arith.constant 10000 : i32
    %mul3A_62 = arith.muli %arg0, %mul3A_61 : i32
    %mul3A_63 = arith.constant 625 : i32
    %mul3A_64 = arith.muli %arg1, %mul3A_63 : i32
    %add3A_65 = arith.addi %mul3A_62, %mul3A_64 : i32
    "tpu.region"() ({
      %run_scoped3A = tpu.sem_alloc : memref<!tpu.dma_semaphore, #tpu.memory_space<semaphore_mem>>
      %dma_start3A_66 = arith.constant 0 : i32
      %dma_start3A_67 = tpu.memref_slice %arg4[%add3A_65, %dma_start3A_66] : memref<20000x128xf32, #tpu.memory_space<hbm>> -> memref<625x128xf32, #tpu.memory_space<hbm>>
      %dma_start3A_68 = arith.constant 0 : i32
      %dma_start3A_69 = tpu.memref_slice %arg10[%mul3A_60, %dma_start3A_68] : memref<10000x128xf32, #tpu.memory_space<vmem_shared>> -> memref<625x128xf32, #tpu.memory_space<vmem_shared>>
      tpu.enqueue_dma source(%dma_start3A_69 : memref<625x128xf32, #tpu.memory_space<vmem_shared>>) target(%dma_start3A_67 : memref<625x128xf32, #tpu.memory_space<hbm>>) target_semaphore(%run_scoped3A : memref<!tpu.dma_semaphore, #tpu.memory_space<semaphore_mem>>)
      %dma_wait3A_70 = arith.constant 0 : i32
      %dma_wait3A_71 = tpu.memref_slice %arg4[%add3A_65, %dma_wait3A_70] : memref<20000x128xf32, #tpu.memory_space<hbm>> -> memref<625x128xf32, #tpu.memory_space<hbm>>
      %dma_wait3A_72 = arith.constant 0 : i32
      %dma_wait3A_73 = tpu.memref_slice %arg10[%mul3A_60, %dma_wait3A_72] : memref<10000x128xf32, #tpu.memory_space<vmem_shared>> -> memref<625x128xf32, #tpu.memory_space<vmem_shared>>
      tpu.wait_dma2 semaphore(%run_scoped3A : memref<!tpu.dma_semaphore, #tpu.memory_space<semaphore_mem>>) src(%dma_wait3A_73 : memref<625x128xf32, #tpu.memory_space<vmem_shared>>) dst(%dma_wait3A_71 : memref<625x128xf32, #tpu.memory_space<hbm>>)
      tpu.yield
    }) : () -> ()
    return
  }
}

#map = affine_map<(d0, d1) -> (0, 0)>
#map1 = affine_map<(d0, d1) -> (0)>
module attributes {stable_mosaic.version = 14 : i64} {
  func.func @k(%arg0: i32, %arg1: i32, %arg2: memref<10000x64xf32, #tpu.memory_space<hbm>>, %arg3: memref<320000xi32, #tpu.memory_space<hbm>>, %arg4: memref<320000xi32, #tpu.memory_space<hbm>>, %arg5: memref<320000x128xf32, #tpu.memory_space<hbm>>, %arg6: memref<80xi32, #tpu.memory_space<vmem>>, %arg7: memref<80xi32, #tpu.memory_space<vmem>>, %arg8: memref<80xi32, #tpu.memory_space<vmem>>, %arg9: memref<80xi32, #tpu.memory_space<vmem>>, %arg10: memref<80x64xf32, #tpu.memory_space<vmem>>, %arg11: memref<80x64xf32, #tpu.memory_space<vmem>>, %arg12: memref<80x64xf32, #tpu.memory_space<vmem>>, %arg13: memref<80x64xf32, #tpu.memory_space<vmem>>, %arg14: memref<!tpu.dma_semaphore, #tpu.memory_space<semaphore_mem>>, %arg15: memref<!tpu.dma_semaphore, #tpu.memory_space<semaphore_mem>>, %arg16: memref<!tpu.dma_semaphore, #tpu.memory_space<semaphore_mem>>, %arg17: memref<!tpu.dma_semaphore, #tpu.memory_space<semaphore_mem>>, %arg18: memref<!tpu.dma_semaphore, #tpu.memory_space<semaphore_mem>>, %arg19: memref<!tpu.dma_semaphore, #tpu.memory_space<semaphore_mem>>) attributes {dimension_semantics = [#tpu.dimension_semantics<core_parallel>, #tpu.dimension_semantics<subcore_parallel>], iteration_bounds = array<i64: 2, 16>, scalar_prefetch = 0 : i64, scratch_operands = 14 : i64, tpu.core_type = #tpu.core_type<sc_vector_subcore>, window_params = [{transform_indices = #map}, {transform_indices = #map1}, {transform_indices = #map1}, {transform_indices = #map}]} {
    %mul3A = arith.constant 2 : i32
    %mul3A_0 = arith.muli %arg1, %mul3A : i32
    %add3A = arith.addi %mul3A_0, %arg0 : i32
    %mul3A_1 = arith.constant 10000 : i32
    %mul3A_2 = arith.muli %add3A, %mul3A_1 : i32
    %add3A_3 = arith.constant 0 : i32
    %add3A_4 = arith.addi %mul3A_2, %add3A_3 : i32
    %dma_start3A = tpu.memref_slice %arg3[%add3A_4] : memref<320000xi32, #tpu.memory_space<hbm>> -> memref<80xi32, #tpu.memory_space<hbm>>
    %dma_start3A_5 = tpu.memref_slice %arg3[%add3A_4] : memref<320000xi32, #tpu.memory_space<hbm>> -> memref<80xi32, #tpu.memory_space<hbm>>
    tpu.enqueue_dma source(%dma_start3A_5 : memref<80xi32, #tpu.memory_space<hbm>>) target(%arg6 : memref<80xi32, #tpu.memory_space<vmem>>) target_semaphore(%arg14 : memref<!tpu.dma_semaphore, #tpu.memory_space<semaphore_mem>>)
    %dma_start3A_6 = tpu.memref_slice %arg4[%add3A_4] : memref<320000xi32, #tpu.memory_space<hbm>> -> memref<80xi32, #tpu.memory_space<hbm>>
    %dma_start3A_7 = tpu.memref_slice %arg4[%add3A_4] : memref<320000xi32, #tpu.memory_space<hbm>> -> memref<80xi32, #tpu.memory_space<hbm>>
    tpu.enqueue_dma source(%dma_start3A_7 : memref<80xi32, #tpu.memory_space<hbm>>) target(%arg7 : memref<80xi32, #tpu.memory_space<vmem>>) target_semaphore(%arg14 : memref<!tpu.dma_semaphore, #tpu.memory_space<semaphore_mem>>)
    %dma_wait3A = arith.constant 0 : i32
    %dma_wait3A_8 = tpu.memref_slice %arg3[%dma_wait3A] : memref<320000xi32, #tpu.memory_space<hbm>> -> memref<80xi32, #tpu.memory_space<hbm>>
    %dma_wait3A_9 = arith.constant 0 : i32
    %dma_wait3A_10 = tpu.memref_slice %arg3[%dma_wait3A_9] : memref<320000xi32, #tpu.memory_space<hbm>> -> memref<80xi32, #tpu.memory_space<hbm>>
    tpu.wait_dma2 semaphore(%arg14 : memref<!tpu.dma_semaphore, #tpu.memory_space<semaphore_mem>>) src(%dma_wait3A_10 : memref<80xi32, #tpu.memory_space<hbm>>) dst(%arg6 : memref<80xi32, #tpu.memory_space<vmem>>)
    %dma_wait3A_11 = arith.constant 0 : i32
    %dma_wait3A_12 = tpu.memref_slice %arg4[%dma_wait3A_11] : memref<320000xi32, #tpu.memory_space<hbm>> -> memref<80xi32, #tpu.memory_space<hbm>>
    %dma_wait3A_13 = arith.constant 0 : i32
    %dma_wait3A_14 = tpu.memref_slice %arg4[%dma_wait3A_13] : memref<320000xi32, #tpu.memory_space<hbm>> -> memref<80xi32, #tpu.memory_space<hbm>>
    tpu.wait_dma2 semaphore(%arg14 : memref<!tpu.dma_semaphore, #tpu.memory_space<semaphore_mem>>) src(%dma_wait3A_14 : memref<80xi32, #tpu.memory_space<hbm>>) dst(%arg7 : memref<80xi32, #tpu.memory_space<vmem>>)
    %dma_start3A_15 = arith.constant 0 : i32
    %dma_start3A_16 = arith.constant 0 : i32
    %dma_start3A_17 = tpu.memref_slice %arg2[%dma_start3A_15, %dma_start3A_16] : memref<10000x64xf32, #tpu.memory_space<hbm>> -> memref<10000x64xf32, #tpu.memory_space<hbm>>
    tpu.enqueue_indirect_dma source(%dma_start3A_17 : memref<10000x64xf32, #tpu.memory_space<hbm>>) target(%arg10 : memref<80x64xf32, #tpu.memory_space<vmem>>) offsets(%arg6 : memref<80xi32, #tpu.memory_space<vmem>>) semaphore(%arg16 : memref<!tpu.dma_semaphore, #tpu.memory_space<semaphore_mem>>)
    %dma_start3A_18 = arith.constant 0 : i32
    %dma_start3A_19 = arith.constant 0 : i32
    %dma_start3A_20 = tpu.memref_slice %arg2[%dma_start3A_18, %dma_start3A_19] : memref<10000x64xf32, #tpu.memory_space<hbm>> -> memref<10000x64xf32, #tpu.memory_space<hbm>>
    tpu.enqueue_indirect_dma source(%dma_start3A_20 : memref<10000x64xf32, #tpu.memory_space<hbm>>) target(%arg11 : memref<80x64xf32, #tpu.memory_space<vmem>>) offsets(%arg7 : memref<80xi32, #tpu.memory_space<vmem>>) semaphore(%arg16 : memref<!tpu.dma_semaphore, #tpu.memory_space<semaphore_mem>>)
    %add3A_21 = arith.constant 80 : i32
    %add3A_22 = arith.addi %mul3A_2, %add3A_21 : i32
    %dma_start3A_23 = tpu.memref_slice %arg3[%add3A_22] : memref<320000xi32, #tpu.memory_space<hbm>> -> memref<80xi32, #tpu.memory_space<hbm>>
    %dma_start3A_24 = tpu.memref_slice %arg3[%add3A_22] : memref<320000xi32, #tpu.memory_space<hbm>> -> memref<80xi32, #tpu.memory_space<hbm>>
    tpu.enqueue_dma source(%dma_start3A_24 : memref<80xi32, #tpu.memory_space<hbm>>) target(%arg8 : memref<80xi32, #tpu.memory_space<vmem>>) target_semaphore(%arg15 : memref<!tpu.dma_semaphore, #tpu.memory_space<semaphore_mem>>)
    %dma_start3A_25 = tpu.memref_slice %arg4[%add3A_22] : memref<320000xi32, #tpu.memory_space<hbm>> -> memref<80xi32, #tpu.memory_space<hbm>>
    %dma_start3A_26 = tpu.memref_slice %arg4[%add3A_22] : memref<320000xi32, #tpu.memory_space<hbm>> -> memref<80xi32, #tpu.memory_space<hbm>>
    tpu.enqueue_dma source(%dma_start3A_26 : memref<80xi32, #tpu.memory_space<hbm>>) target(%arg9 : memref<80xi32, #tpu.memory_space<vmem>>) target_semaphore(%arg15 : memref<!tpu.dma_semaphore, #tpu.memory_space<semaphore_mem>>)
    %scan3A = arith.constant 0 : i32
    %scan3A_27 = arith.constant 0 : i32
    %scan3A_28 = arith.constant 62 : i32
    %scan3A_29 = arith.addi %scan3A_27, %scan3A_28 : i32
    %scan3A_30 = arith.constant 1 : i32
    scf.for %scan3A_72 = %scan3A_27 to %scan3A_29 step %scan3A_30  : i32 {
      %mul3A_73 = arith.constant 2 : i32
      %mul3A_74 = arith.muli %mul3A_73, %scan3A_72 : i32
      %add3A_75 = arith.constant 0 : i32
      %add3A_76 = arith.addi %mul3A_74, %add3A_75 : i32
      %dma_wait3A_77 = arith.constant 0 : i32
      %dma_wait3A_78 = arith.constant 0 : i32
      %dma_wait3A_79 = tpu.memref_slice %arg2[%dma_wait3A_77, %dma_wait3A_78] : memref<10000x64xf32, #tpu.memory_space<hbm>> -> memref<10000x64xf32, #tpu.memory_space<hbm>>
      tpu.wait_indirect_dma semaphore(%arg16 : memref<!tpu.dma_semaphore, #tpu.memory_space<semaphore_mem>>) src(%dma_wait3A_79 : memref<10000x64xf32, #tpu.memory_space<hbm>>) dst(%arg10 : memref<80x64xf32, #tpu.memory_space<vmem>>)
      %dma_wait3A_80 = arith.constant 0 : i32
      %dma_wait3A_81 = arith.constant 0 : i32
      %dma_wait3A_82 = tpu.memref_slice %arg2[%dma_wait3A_80, %dma_wait3A_81] : memref<10000x64xf32, #tpu.memory_space<hbm>> -> memref<10000x64xf32, #tpu.memory_space<hbm>>
      tpu.wait_indirect_dma semaphore(%arg16 : memref<!tpu.dma_semaphore, #tpu.memory_space<semaphore_mem>>) src(%dma_wait3A_82 : memref<10000x64xf32, #tpu.memory_space<hbm>>) dst(%arg11 : memref<80x64xf32, #tpu.memory_space<vmem>>)
      %mul3A_83 = arith.constant 80 : i32
      %mul3A_84 = arith.muli %add3A_76, %mul3A_83 : i32
      %add3A_85 = arith.addi %mul3A_2, %mul3A_84 : i32
      %dma_start3A_86 = arith.constant 0 : i32
      %dma_start3A_87 = tpu.memref_slice %arg5[%add3A_85, %dma_start3A_86] : memref<320000x128xf32, #tpu.memory_space<hbm>> -> memref<80x64xf32, #tpu.memory_space<hbm>>
      %dma_start3A_88 = arith.constant 0 : i32
      %dma_start3A_89 = tpu.memref_slice %arg5[%add3A_85, %dma_start3A_88] : memref<320000x128xf32, #tpu.memory_space<hbm>> -> memref<80x64xf32, #tpu.memory_space<hbm>>
      tpu.enqueue_dma source(%arg10 : memref<80x64xf32, #tpu.memory_space<vmem>>) target(%dma_start3A_89 : memref<80x64xf32, #tpu.memory_space<hbm>>) target_semaphore(%arg18 : memref<!tpu.dma_semaphore, #tpu.memory_space<semaphore_mem>>)
      %dma_start3A_90 = arith.constant 64 : i32
      %dma_start3A_91 = tpu.memref_slice %arg5[%add3A_85, %dma_start3A_90] : memref<320000x128xf32, #tpu.memory_space<hbm>> -> memref<80x64xf32, #tpu.memory_space<hbm>>
      %dma_start3A_92 = arith.constant 64 : i32
      %dma_start3A_93 = tpu.memref_slice %arg5[%add3A_85, %dma_start3A_92] : memref<320000x128xf32, #tpu.memory_space<hbm>> -> memref<80x64xf32, #tpu.memory_space<hbm>>
      tpu.enqueue_dma source(%arg11 : memref<80x64xf32, #tpu.memory_space<vmem>>) target(%dma_start3A_93 : memref<80x64xf32, #tpu.memory_space<hbm>>) target_semaphore(%arg18 : memref<!tpu.dma_semaphore, #tpu.memory_space<semaphore_mem>>)
      %dma_wait3A_94 = arith.constant 0 : i32
      %dma_wait3A_95 = tpu.memref_slice %arg3[%dma_wait3A_94] : memref<320000xi32, #tpu.memory_space<hbm>> -> memref<80xi32, #tpu.memory_space<hbm>>
      %dma_wait3A_96 = arith.constant 0 : i32
      %dma_wait3A_97 = tpu.memref_slice %arg3[%dma_wait3A_96] : memref<320000xi32, #tpu.memory_space<hbm>> -> memref<80xi32, #tpu.memory_space<hbm>>
      tpu.wait_dma2 semaphore(%arg15 : memref<!tpu.dma_semaphore, #tpu.memory_space<semaphore_mem>>) src(%dma_wait3A_97 : memref<80xi32, #tpu.memory_space<hbm>>) dst(%arg8 : memref<80xi32, #tpu.memory_space<vmem>>)
      %dma_wait3A_98 = arith.constant 0 : i32
      %dma_wait3A_99 = tpu.memref_slice %arg4[%dma_wait3A_98] : memref<320000xi32, #tpu.memory_space<hbm>> -> memref<80xi32, #tpu.memory_space<hbm>>
      %dma_wait3A_100 = arith.constant 0 : i32
      %dma_wait3A_101 = tpu.memref_slice %arg4[%dma_wait3A_100] : memref<320000xi32, #tpu.memory_space<hbm>> -> memref<80xi32, #tpu.memory_space<hbm>>
      tpu.wait_dma2 semaphore(%arg15 : memref<!tpu.dma_semaphore, #tpu.memory_space<semaphore_mem>>) src(%dma_wait3A_101 : memref<80xi32, #tpu.memory_space<hbm>>) dst(%arg9 : memref<80xi32, #tpu.memory_space<vmem>>)
      %ge3A = arith.constant 1 : i32
      %ge3A_102 = arith.cmpi sge, %add3A_76, %ge3A : i32
      %convert_element_type3A = arith.extui %ge3A_102 : i1 to i32
      %cond3A = arith.constant 0 : i32
      %cond3A_103 = arith.cmpi ne, %convert_element_type3A, %cond3A : i32
      scf.if %cond3A_103 {
        %dma_wait3A_163 = arith.constant 0 : i32
        %dma_wait3A_164 = arith.constant 0 : i32
        %dma_wait3A_165 = tpu.memref_slice %arg5[%dma_wait3A_163, %dma_wait3A_164] : memref<320000x128xf32, #tpu.memory_space<hbm>> -> memref<80x64xf32, #tpu.memory_space<hbm>>
        %dma_wait3A_166 = arith.constant 0 : i32
        %dma_wait3A_167 = arith.constant 0 : i32
        %dma_wait3A_168 = tpu.memref_slice %arg5[%dma_wait3A_166, %dma_wait3A_167] : memref<320000x128xf32, #tpu.memory_space<hbm>> -> memref<80x64xf32, #tpu.memory_space<hbm>>
        tpu.wait_dma2 semaphore(%arg19 : memref<!tpu.dma_semaphore, #tpu.memory_space<semaphore_mem>>) src(%arg12 : memref<80x64xf32, #tpu.memory_space<vmem>>) dst(%dma_wait3A_168 : memref<80x64xf32, #tpu.memory_space<hbm>>)
        %dma_wait3A_169 = arith.constant 0 : i32
        %dma_wait3A_170 = arith.constant 64 : i32
        %dma_wait3A_171 = tpu.memref_slice %arg5[%dma_wait3A_169, %dma_wait3A_170] : memref<320000x128xf32, #tpu.memory_space<hbm>> -> memref<80x64xf32, #tpu.memory_space<hbm>>
        %dma_wait3A_172 = arith.constant 0 : i32
        %dma_wait3A_173 = arith.constant 64 : i32
        %dma_wait3A_174 = tpu.memref_slice %arg5[%dma_wait3A_172, %dma_wait3A_173] : memref<320000x128xf32, #tpu.memory_space<hbm>> -> memref<80x64xf32, #tpu.memory_space<hbm>>
        tpu.wait_dma2 semaphore(%arg19 : memref<!tpu.dma_semaphore, #tpu.memory_space<semaphore_mem>>) src(%arg13 : memref<80x64xf32, #tpu.memory_space<vmem>>) dst(%dma_wait3A_174 : memref<80x64xf32, #tpu.memory_space<hbm>>)
      } else {
      }
      %dma_start3A_104 = arith.constant 0 : i32
      %dma_start3A_105 = arith.constant 0 : i32
      %dma_start3A_106 = tpu.memref_slice %arg2[%dma_start3A_104, %dma_start3A_105] : memref<10000x64xf32, #tpu.memory_space<hbm>> -> memref<10000x64xf32, #tpu.memory_space<hbm>>
      tpu.enqueue_indirect_dma source(%dma_start3A_106 : memref<10000x64xf32, #tpu.memory_space<hbm>>) target(%arg12 : memref<80x64xf32, #tpu.memory_space<vmem>>) offsets(%arg8 : memref<80xi32, #tpu.memory_space<vmem>>) semaphore(%arg17 : memref<!tpu.dma_semaphore, #tpu.memory_space<semaphore_mem>>)
      %dma_start3A_107 = arith.constant 0 : i32
      %dma_start3A_108 = arith.constant 0 : i32
      %dma_start3A_109 = tpu.memref_slice %arg2[%dma_start3A_107, %dma_start3A_108] : memref<10000x64xf32, #tpu.memory_space<hbm>> -> memref<10000x64xf32, #tpu.memory_space<hbm>>
      tpu.enqueue_indirect_dma source(%dma_start3A_109 : memref<10000x64xf32, #tpu.memory_space<hbm>>) target(%arg13 : memref<80x64xf32, #tpu.memory_space<vmem>>) offsets(%arg9 : memref<80xi32, #tpu.memory_space<vmem>>) semaphore(%arg17 : memref<!tpu.dma_semaphore, #tpu.memory_space<semaphore_mem>>)
      %add3A_110 = arith.constant 2 : i32
      %add3A_111 = arith.addi %add3A_76, %add3A_110 : i32
      %lt3A = arith.constant 125 : i32
      %lt3A_112 = arith.cmpi slt, %add3A_111, %lt3A : i32
      %convert_element_type3A_113 = arith.extui %lt3A_112 : i1 to i32
      %cond3A_114 = arith.constant 0 : i32
      %cond3A_115 = arith.cmpi ne, %convert_element_type3A_113, %cond3A_114 : i32
      scf.if %cond3A_115 {
        %add3A_163 = arith.constant 2 : i32
        %add3A_164 = arith.addi %add3A_76, %add3A_163 : i32
        %mul3A_165 = arith.constant 80 : i32
        %mul3A_166 = arith.muli %add3A_164, %mul3A_165 : i32
        %add3A_167 = arith.addi %mul3A_2, %mul3A_166 : i32
        %dma_start3A_168 = tpu.memref_slice %arg3[%add3A_167] : memref<320000xi32, #tpu.memory_space<hbm>> -> memref<80xi32, #tpu.memory_space<hbm>>
        %dma_start3A_169 = tpu.memref_slice %arg3[%add3A_167] : memref<320000xi32, #tpu.memory_space<hbm>> -> memref<80xi32, #tpu.memory_space<hbm>>
        tpu.enqueue_dma source(%dma_start3A_169 : memref<80xi32, #tpu.memory_space<hbm>>) target(%arg6 : memref<80xi32, #tpu.memory_space<vmem>>) target_semaphore(%arg14 : memref<!tpu.dma_semaphore, #tpu.memory_space<semaphore_mem>>)
        %dma_start3A_170 = tpu.memref_slice %arg4[%add3A_167] : memref<320000xi32, #tpu.memory_space<hbm>> -> memref<80xi32, #tpu.memory_space<hbm>>
        %dma_start3A_171 = tpu.memref_slice %arg4[%add3A_167] : memref<320000xi32, #tpu.memory_space<hbm>> -> memref<80xi32, #tpu.memory_space<hbm>>
        tpu.enqueue_dma source(%dma_start3A_171 : memref<80xi32, #tpu.memory_space<hbm>>) target(%arg7 : memref<80xi32, #tpu.memory_space<vmem>>) target_semaphore(%arg14 : memref<!tpu.dma_semaphore, #tpu.memory_space<semaphore_mem>>)
      } else {
      }
      %mul3A_116 = arith.constant 2 : i32
      %mul3A_117 = arith.muli %mul3A_116, %scan3A_72 : i32
      %add3A_118 = arith.constant 1 : i32
      %add3A_119 = arith.addi %mul3A_117, %add3A_118 : i32
      %dma_wait3A_120 = arith.constant 0 : i32
      %dma_wait3A_121 = arith.constant 0 : i32
      %dma_wait3A_122 = tpu.memref_slice %arg2[%dma_wait3A_120, %dma_wait3A_121] : memref<10000x64xf32, #tpu.memory_space<hbm>> -> memref<10000x64xf32, #tpu.memory_space<hbm>>
      tpu.wait_indirect_dma semaphore(%arg17 : memref<!tpu.dma_semaphore, #tpu.memory_space<semaphore_mem>>) src(%dma_wait3A_122 : memref<10000x64xf32, #tpu.memory_space<hbm>>) dst(%arg12 : memref<80x64xf32, #tpu.memory_space<vmem>>)
      %dma_wait3A_123 = arith.constant 0 : i32
      %dma_wait3A_124 = arith.constant 0 : i32
      %dma_wait3A_125 = tpu.memref_slice %arg2[%dma_wait3A_123, %dma_wait3A_124] : memref<10000x64xf32, #tpu.memory_space<hbm>> -> memref<10000x64xf32, #tpu.memory_space<hbm>>
      tpu.wait_indirect_dma semaphore(%arg17 : memref<!tpu.dma_semaphore, #tpu.memory_space<semaphore_mem>>) src(%dma_wait3A_125 : memref<10000x64xf32, #tpu.memory_space<hbm>>) dst(%arg13 : memref<80x64xf32, #tpu.memory_space<vmem>>)
      %mul3A_126 = arith.constant 80 : i32
      %mul3A_127 = arith.muli %add3A_119, %mul3A_126 : i32
      %add3A_128 = arith.addi %mul3A_2, %mul3A_127 : i32
      %dma_start3A_129 = arith.constant 0 : i32
      %dma_start3A_130 = tpu.memref_slice %arg5[%add3A_128, %dma_start3A_129] : memref<320000x128xf32, #tpu.memory_space<hbm>> -> memref<80x64xf32, #tpu.memory_space<hbm>>
      %dma_start3A_131 = arith.constant 0 : i32
      %dma_start3A_132 = tpu.memref_slice %arg5[%add3A_128, %dma_start3A_131] : memref<320000x128xf32, #tpu.memory_space<hbm>> -> memref<80x64xf32, #tpu.memory_space<hbm>>
      tpu.enqueue_dma source(%arg12 : memref<80x64xf32, #tpu.memory_space<vmem>>) target(%dma_start3A_132 : memref<80x64xf32, #tpu.memory_space<hbm>>) target_semaphore(%arg19 : memref<!tpu.dma_semaphore, #tpu.memory_space<semaphore_mem>>)
      %dma_start3A_133 = arith.constant 64 : i32
      %dma_start3A_134 = tpu.memref_slice %arg5[%add3A_128, %dma_start3A_133] : memref<320000x128xf32, #tpu.memory_space<hbm>> -> memref<80x64xf32, #tpu.memory_space<hbm>>
      %dma_start3A_135 = arith.constant 64 : i32
      %dma_start3A_136 = tpu.memref_slice %arg5[%add3A_128, %dma_start3A_135] : memref<320000x128xf32, #tpu.memory_space<hbm>> -> memref<80x64xf32, #tpu.memory_space<hbm>>
      tpu.enqueue_dma source(%arg13 : memref<80x64xf32, #tpu.memory_space<vmem>>) target(%dma_start3A_136 : memref<80x64xf32, #tpu.memory_space<hbm>>) target_semaphore(%arg19 : memref<!tpu.dma_semaphore, #tpu.memory_space<semaphore_mem>>)
      %dma_wait3A_137 = arith.constant 0 : i32
      %dma_wait3A_138 = tpu.memref_slice %arg3[%dma_wait3A_137] : memref<320000xi32, #tpu.memory_space<hbm>> -> memref<80xi32, #tpu.memory_space<hbm>>
      %dma_wait3A_139 = arith.constant 0 : i32
      %dma_wait3A_140 = tpu.memref_slice %arg3[%dma_wait3A_139] : memref<320000xi32, #tpu.memory_space<hbm>> -> memref<80xi32, #tpu.memory_space<hbm>>
      tpu.wait_dma2 semaphore(%arg14 : memref<!tpu.dma_semaphore, #tpu.memory_space<semaphore_mem>>) src(%dma_wait3A_140 : memref<80xi32, #tpu.memory_space<hbm>>) dst(%arg6 : memref<80xi32, #tpu.memory_space<vmem>>)
      %dma_wait3A_141 = arith.constant 0 : i32
      %dma_wait3A_142 = tpu.memref_slice %arg4[%dma_wait3A_141] : memref<320000xi32, #tpu.memory_space<hbm>> -> memref<80xi32, #tpu.memory_space<hbm>>
      %dma_wait3A_143 = arith.constant 0 : i32
      %dma_wait3A_144 = tpu.memref_slice %arg4[%dma_wait3A_143] : memref<320000xi32, #tpu.memory_space<hbm>> -> memref<80xi32, #tpu.memory_space<hbm>>
      tpu.wait_dma2 semaphore(%arg14 : memref<!tpu.dma_semaphore, #tpu.memory_space<semaphore_mem>>) src(%dma_wait3A_144 : memref<80xi32, #tpu.memory_space<hbm>>) dst(%arg7 : memref<80xi32, #tpu.memory_space<vmem>>)
      %ge3A_145 = arith.constant 1 : i32
      %ge3A_146 = arith.cmpi sge, %add3A_119, %ge3A_145 : i32
      %convert_element_type3A_147 = arith.extui %ge3A_146 : i1 to i32
      %cond3A_148 = arith.constant 0 : i32
      %cond3A_149 = arith.cmpi ne, %convert_element_type3A_147, %cond3A_148 : i32
      scf.if %cond3A_149 {
        %dma_wait3A_163 = arith.constant 0 : i32
        %dma_wait3A_164 = arith.constant 0 : i32
        %dma_wait3A_165 = tpu.memref_slice %arg5[%dma_wait3A_163, %dma_wait3A_164] : memref<320000x128xf32, #tpu.memory_space<hbm>> -> memref<80x64xf32, #tpu.memory_space<hbm>>
        %dma_wait3A_166 = arith.constant 0 : i32
        %dma_wait3A_167 = arith.constant 0 : i32
        %dma_wait3A_168 = tpu.memref_slice %arg5[%dma_wait3A_166, %dma_wait3A_167] : memref<320000x128xf32, #tpu.memory_space<hbm>> -> memref<80x64xf32, #tpu.memory_space<hbm>>
        tpu.wait_dma2 semaphore(%arg18 : memref<!tpu.dma_semaphore, #tpu.memory_space<semaphore_mem>>) src(%arg10 : memref<80x64xf32, #tpu.memory_space<vmem>>) dst(%dma_wait3A_168 : memref<80x64xf32, #tpu.memory_space<hbm>>)
        %dma_wait3A_169 = arith.constant 0 : i32
        %dma_wait3A_170 = arith.constant 64 : i32
        %dma_wait3A_171 = tpu.memref_slice %arg5[%dma_wait3A_169, %dma_wait3A_170] : memref<320000x128xf32, #tpu.memory_space<hbm>> -> memref<80x64xf32, #tpu.memory_space<hbm>>
        %dma_wait3A_172 = arith.constant 0 : i32
        %dma_wait3A_173 = arith.constant 64 : i32
        %dma_wait3A_174 = tpu.memref_slice %arg5[%dma_wait3A_172, %dma_wait3A_173] : memref<320000x128xf32, #tpu.memory_space<hbm>> -> memref<80x64xf32, #tpu.memory_space<hbm>>
        tpu.wait_dma2 semaphore(%arg18 : memref<!tpu.dma_semaphore, #tpu.memory_space<semaphore_mem>>) src(%arg11 : memref<80x64xf32, #tpu.memory_space<vmem>>) dst(%dma_wait3A_174 : memref<80x64xf32, #tpu.memory_space<hbm>>)
      } else {
      }
      %dma_start3A_150 = arith.constant 0 : i32
      %dma_start3A_151 = arith.constant 0 : i32
      %dma_start3A_152 = tpu.memref_slice %arg2[%dma_start3A_150, %dma_start3A_151] : memref<10000x64xf32, #tpu.memory_space<hbm>> -> memref<10000x64xf32, #tpu.memory_space<hbm>>
      tpu.enqueue_indirect_dma source(%dma_start3A_152 : memref<10000x64xf32, #tpu.memory_space<hbm>>) target(%arg10 : memref<80x64xf32, #tpu.memory_space<vmem>>) offsets(%arg6 : memref<80xi32, #tpu.memory_space<vmem>>) semaphore(%arg16 : memref<!tpu.dma_semaphore, #tpu.memory_space<semaphore_mem>>)
      %dma_start3A_153 = arith.constant 0 : i32
      %dma_start3A_154 = arith.constant 0 : i32
      %dma_start3A_155 = tpu.memref_slice %arg2[%dma_start3A_153, %dma_start3A_154] : memref<10000x64xf32, #tpu.memory_space<hbm>> -> memref<10000x64xf32, #tpu.memory_space<hbm>>
      tpu.enqueue_indirect_dma source(%dma_start3A_155 : memref<10000x64xf32, #tpu.memory_space<hbm>>) target(%arg11 : memref<80x64xf32, #tpu.memory_space<vmem>>) offsets(%arg7 : memref<80xi32, #tpu.memory_space<vmem>>) semaphore(%arg16 : memref<!tpu.dma_semaphore, #tpu.memory_space<semaphore_mem>>)
      %add3A_156 = arith.constant 2 : i32
      %add3A_157 = arith.addi %add3A_119, %add3A_156 : i32
      %lt3A_158 = arith.constant 125 : i32
      %lt3A_159 = arith.cmpi slt, %add3A_157, %lt3A_158 : i32
      %convert_element_type3A_160 = arith.extui %lt3A_159 : i1 to i32
      %cond3A_161 = arith.constant 0 : i32
      %cond3A_162 = arith.cmpi ne, %convert_element_type3A_160, %cond3A_161 : i32
      scf.if %cond3A_162 {
        %add3A_163 = arith.constant 2 : i32
        %add3A_164 = arith.addi %add3A_119, %add3A_163 : i32
        %mul3A_165 = arith.constant 80 : i32
        %mul3A_166 = arith.muli %add3A_164, %mul3A_165 : i32
        %add3A_167 = arith.addi %mul3A_2, %mul3A_166 : i32
        %dma_start3A_168 = tpu.memref_slice %arg3[%add3A_167] : memref<320000xi32, #tpu.memory_space<hbm>> -> memref<80xi32, #tpu.memory_space<hbm>>
        %dma_start3A_169 = tpu.memref_slice %arg3[%add3A_167] : memref<320000xi32, #tpu.memory_space<hbm>> -> memref<80xi32, #tpu.memory_space<hbm>>
        tpu.enqueue_dma source(%dma_start3A_169 : memref<80xi32, #tpu.memory_space<hbm>>) target(%arg8 : memref<80xi32, #tpu.memory_space<vmem>>) target_semaphore(%arg15 : memref<!tpu.dma_semaphore, #tpu.memory_space<semaphore_mem>>)
        %dma_start3A_170 = tpu.memref_slice %arg4[%add3A_167] : memref<320000xi32, #tpu.memory_space<hbm>> -> memref<80xi32, #tpu.memory_space<hbm>>
        %dma_start3A_171 = tpu.memref_slice %arg4[%add3A_167] : memref<320000xi32, #tpu.memory_space<hbm>> -> memref<80xi32, #tpu.memory_space<hbm>>
        tpu.enqueue_dma source(%dma_start3A_171 : memref<80xi32, #tpu.memory_space<hbm>>) target(%arg9 : memref<80xi32, #tpu.memory_space<vmem>>) target_semaphore(%arg15 : memref<!tpu.dma_semaphore, #tpu.memory_space<semaphore_mem>>)
      } else {
      }
    }
    %scan3A_31 = arith.constant 62 : i32
    %dma_wait3A_32 = arith.constant 0 : i32
    %dma_wait3A_33 = arith.constant 0 : i32
    %dma_wait3A_34 = tpu.memref_slice %arg2[%dma_wait3A_32, %dma_wait3A_33] : memref<10000x64xf32, #tpu.memory_space<hbm>> -> memref<10000x64xf32, #tpu.memory_space<hbm>>
    tpu.wait_indirect_dma semaphore(%arg16 : memref<!tpu.dma_semaphore, #tpu.memory_space<semaphore_mem>>) src(%dma_wait3A_34 : memref<10000x64xf32, #tpu.memory_space<hbm>>) dst(%arg10 : memref<80x64xf32, #tpu.memory_space<vmem>>)
    %dma_wait3A_35 = arith.constant 0 : i32
    %dma_wait3A_36 = arith.constant 0 : i32
    %dma_wait3A_37 = tpu.memref_slice %arg2[%dma_wait3A_35, %dma_wait3A_36] : memref<10000x64xf32, #tpu.memory_space<hbm>> -> memref<10000x64xf32, #tpu.memory_space<hbm>>
    tpu.wait_indirect_dma semaphore(%arg16 : memref<!tpu.dma_semaphore, #tpu.memory_space<semaphore_mem>>) src(%dma_wait3A_37 : memref<10000x64xf32, #tpu.memory_space<hbm>>) dst(%arg11 : memref<80x64xf32, #tpu.memory_space<vmem>>)
    %dma_wait3A_38 = arith.constant 0 : i32
    %dma_wait3A_39 = arith.constant 0 : i32
    %dma_wait3A_40 = tpu.memref_slice %arg5[%dma_wait3A_38, %dma_wait3A_39] : memref<320000x128xf32, #tpu.memory_space<hbm>> -> memref<80x64xf32, #tpu.memory_space<hbm>>
    %dma_wait3A_41 = arith.constant 0 : i32
    %dma_wait3A_42 = arith.constant 0 : i32
    %dma_wait3A_43 = tpu.memref_slice %arg5[%dma_wait3A_41, %dma_wait3A_42] : memref<320000x128xf32, #tpu.memory_space<hbm>> -> memref<80x64xf32, #tpu.memory_space<hbm>>
    tpu.wait_dma2 semaphore(%arg19 : memref<!tpu.dma_semaphore, #tpu.memory_space<semaphore_mem>>) src(%arg12 : memref<80x64xf32, #tpu.memory_space<vmem>>) dst(%dma_wait3A_43 : memref<80x64xf32, #tpu.memory_space<hbm>>)
    %dma_wait3A_44 = arith.constant 0 : i32
    %dma_wait3A_45 = arith.constant 64 : i32
    %dma_wait3A_46 = tpu.memref_slice %arg5[%dma_wait3A_44, %dma_wait3A_45] : memref<320000x128xf32, #tpu.memory_space<hbm>> -> memref<80x64xf32, #tpu.memory_space<hbm>>
    %dma_wait3A_47 = arith.constant 0 : i32
    %dma_wait3A_48 = arith.constant 64 : i32
    %dma_wait3A_49 = tpu.memref_slice %arg5[%dma_wait3A_47, %dma_wait3A_48] : memref<320000x128xf32, #tpu.memory_space<hbm>> -> memref<80x64xf32, #tpu.memory_space<hbm>>
    tpu.wait_dma2 semaphore(%arg19 : memref<!tpu.dma_semaphore, #tpu.memory_space<semaphore_mem>>) src(%arg13 : memref<80x64xf32, #tpu.memory_space<vmem>>) dst(%dma_wait3A_49 : memref<80x64xf32, #tpu.memory_space<hbm>>)
    %add3A_50 = arith.constant 9920 : i32
    %add3A_51 = arith.addi %mul3A_2, %add3A_50 : i32
    %dma_start3A_52 = arith.constant 0 : i32
    %dma_start3A_53 = tpu.memref_slice %arg5[%add3A_51, %dma_start3A_52] : memref<320000x128xf32, #tpu.memory_space<hbm>> -> memref<80x64xf32, #tpu.memory_space<hbm>>
    %dma_start3A_54 = arith.constant 0 : i32
    %dma_start3A_55 = tpu.memref_slice %arg5[%add3A_51, %dma_start3A_54] : memref<320000x128xf32, #tpu.memory_space<hbm>> -> memref<80x64xf32, #tpu.memory_space<hbm>>
    tpu.enqueue_dma source(%arg10 : memref<80x64xf32, #tpu.memory_space<vmem>>) target(%dma_start3A_55 : memref<80x64xf32, #tpu.memory_space<hbm>>) target_semaphore(%arg18 : memref<!tpu.dma_semaphore, #tpu.memory_space<semaphore_mem>>)
    %dma_start3A_56 = arith.constant 64 : i32
    %dma_start3A_57 = tpu.memref_slice %arg5[%add3A_51, %dma_start3A_56] : memref<320000x128xf32, #tpu.memory_space<hbm>> -> memref<80x64xf32, #tpu.memory_space<hbm>>
    %dma_start3A_58 = arith.constant 64 : i32
    %dma_start3A_59 = tpu.memref_slice %arg5[%add3A_51, %dma_start3A_58] : memref<320000x128xf32, #tpu.memory_space<hbm>> -> memref<80x64xf32, #tpu.memory_space<hbm>>
    tpu.enqueue_dma source(%arg11 : memref<80x64xf32, #tpu.memory_space<vmem>>) target(%dma_start3A_59 : memref<80x64xf32, #tpu.memory_space<hbm>>) target_semaphore(%arg18 : memref<!tpu.dma_semaphore, #tpu.memory_space<semaphore_mem>>)
    %dma_wait3A_60 = arith.constant 0 : i32
    %dma_wait3A_61 = arith.constant 0 : i32
    %dma_wait3A_62 = tpu.memref_slice %arg5[%dma_wait3A_60, %dma_wait3A_61] : memref<320000x128xf32, #tpu.memory_space<hbm>> -> memref<80x64xf32, #tpu.memory_space<hbm>>
    %dma_wait3A_63 = arith.constant 0 : i32
    %dma_wait3A_64 = arith.constant 0 : i32
    %dma_wait3A_65 = tpu.memref_slice %arg5[%dma_wait3A_63, %dma_wait3A_64] : memref<320000x128xf32, #tpu.memory_space<hbm>> -> memref<80x64xf32, #tpu.memory_space<hbm>>
    tpu.wait_dma2 semaphore(%arg18 : memref<!tpu.dma_semaphore, #tpu.memory_space<semaphore_mem>>) src(%arg10 : memref<80x64xf32, #tpu.memory_space<vmem>>) dst(%dma_wait3A_65 : memref<80x64xf32, #tpu.memory_space<hbm>>)
    %dma_wait3A_66 = arith.constant 0 : i32
    %dma_wait3A_67 = arith.constant 64 : i32
    %dma_wait3A_68 = tpu.memref_slice %arg5[%dma_wait3A_66, %dma_wait3A_67] : memref<320000x128xf32, #tpu.memory_space<hbm>> -> memref<80x64xf32, #tpu.memory_space<hbm>>
    %dma_wait3A_69 = arith.constant 0 : i32
    %dma_wait3A_70 = arith.constant 64 : i32
    %dma_wait3A_71 = tpu.memref_slice %arg5[%dma_wait3A_69, %dma_wait3A_70] : memref<320000x128xf32, #tpu.memory_space<hbm>> -> memref<80x64xf32, #tpu.memory_space<hbm>>
    tpu.wait_dma2 semaphore(%arg18 : memref<!tpu.dma_semaphore, #tpu.memory_space<semaphore_mem>>) src(%arg11 : memref<80x64xf32, #tpu.memory_space<vmem>>) dst(%dma_wait3A_71 : memref<80x64xf32, #tpu.memory_space<hbm>>)
    return
  }
}

module attributes {stable_mosaic.version = 14 : i64} {
  func.func @_table_body(%arg0: memref<10000x48xf32, #tpu.memory_space<vmem>>, %arg1: memref<10000x64xf32, #tpu.memory_space<vmem>>) attributes {dimension_semantics = [], scalar_prefetch = 0 : i64, scratch_operands = 0 : i64, tpu.core_type = #tpu.core_type<tc>} {
    %get3A = arith.constant 0 : index
    %get3A_0 = arith.constant 0 : index
    %get3A_1 = vector.load %arg0[%get3A, %get3A_0] : memref<10000x48xf32, #tpu.memory_space<vmem>>, vector<10000x48xf32>
    %slice3A = vector.extract_strided_slice %get3A_1 {offsets = [0, 0], sizes = [10000, 16], strides = [1, 1]} : vector<10000x48xf32> to vector<10000x16xf32>
    %integer_pow3A = arith.mulf %slice3A, %slice3A : vector<10000x16xf32>
    %slice3A_2 = vector.extract_strided_slice %get3A_1 {offsets = [0, 16], sizes = [10000, 16], strides = [1, 1]} : vector<10000x48xf32> to vector<10000x16xf32>
    %integer_pow3A_3 = arith.mulf %slice3A_2, %slice3A_2 : vector<10000x16xf32>
    %add3A = arith.addf %integer_pow3A, %integer_pow3A_3 : vector<10000x16xf32>
    %slice3A_4 = vector.extract_strided_slice %get3A_1 {offsets = [0, 32], sizes = [10000, 16], strides = [1, 1]} : vector<10000x48xf32> to vector<10000x16xf32>
    %integer_pow3A_5 = arith.mulf %slice3A_4, %slice3A_4 : vector<10000x16xf32>
    %add3A_6 = arith.addf %add3A, %integer_pow3A_5 : vector<10000x16xf32>
    %sqrt3A = math.sqrt %add3A_6 : vector<10000x16xf32>
    %concatenate3A = tpu.concatenate %get3A_1, %sqrt3A in 1 : vector<10000x48xf32>, vector<10000x16xf32> -> vector<10000x64xf32>
    %swap3A = arith.constant 0 : index
    %swap3A_7 = arith.constant 0 : index
    %swap3A_8 = vector.load %arg1[%swap3A, %swap3A_7] : memref<10000x64xf32, #tpu.memory_space<vmem>>, vector<10000x64xf32>
    tpu.vector_store %arg1[%swap3A, %swap3A_7], %concatenate3A {strides = array<i32>} : memref<10000x64xf32, #tpu.memory_space<vmem>>, vector<10000x64xf32>,
    return
  }
}

module attributes {stable_mosaic.version = 14 : i64} {
  func.func @_edge_body(%arg0: i32, %arg1: memref<2000x128xf32, #tpu.memory_space<vmem>>, %arg2: memref<2000x128xf32, #tpu.memory_space<vmem>>, %arg3: memref<1x128xf32, #tpu.memory_space<vmem>>, %arg4: memref<1x128xf32, #tpu.memory_space<vmem>>, %arg5: memref<128x128xf32, #tpu.memory_space<vmem>>, %arg6: memref<1x128xf32, #tpu.memory_space<vmem>>, %arg7: memref<128x128xf32, #tpu.memory_space<vmem>>, %arg8: memref<1x128xf32, #tpu.memory_space<vmem>>, %arg9: memref<128x128xf32, #tpu.memory_space<vmem>>, %arg10: memref<16x128xf32, #tpu.memory_space<vmem>>, %arg11: memref<1x128xf32, #tpu.memory_space<vmem>>, %arg12: memref<1x128xf32, #tpu.memory_space<vmem>>, %arg13: memref<1x1xf32, #tpu.memory_space<vmem>>, %arg14: memref<2000x128xf32, #tpu.memory_space<vmem>>, %arg15: memref<2000x128xf32, #tpu.memory_space<vmem>>) attributes {dimension_semantics = [#tpu.dimension_semantics<arbitrary>], iteration_bounds = array<i64: 160>, scalar_prefetch = 0 : i64, scratch_operands = 0 : i64, tpu.core_type = #tpu.core_type<tc>, window_params = [{transform_indices = @transform_0, window_bounds = array<i64: 2000, 128>}, {transform_indices = @transform_1, window_bounds = array<i64: 2000, 128>}, {pipeline_mode = #tpu.pipeline_mode<synchronous>, transform_indices = @transform_2, window_bounds = array<i64: 1, 128>}, {pipeline_mode = #tpu.pipeline_mode<synchronous>, transform_indices = @transform_3, window_bounds = array<i64: 1, 128>}, {pipeline_mode = #tpu.pipeline_mode<synchronous>, transform_indices = @transform_4, window_bounds = array<i64: 128, 128>}, {pipeline_mode = #tpu.pipeline_mode<synchronous>, transform_indices = @transform_5, window_bounds = array<i64: 1, 128>}, {pipeline_mode = #tpu.pipeline_mode<synchronous>, transform_indices = @transform_6, window_bounds = array<i64: 128, 128>}, {pipeline_mode = #tpu.pipeline_mode<synchronous>, transform_indices = @transform_7, window_bounds = array<i64: 1, 128>}, {pipeline_mode = #tpu.pipeline_mode<synchronous>, transform_indices = @transform_8, window_bounds = array<i64: 128, 128>}, {pipeline_mode = #tpu.pipeline_mode<synchronous>, transform_indices = @transform_9, window_bounds = array<i64: 16, 128>}, {pipeline_mode = #tpu.pipeline_mode<synchronous>, transform_indices = @transform_10, window_bounds = array<i64: 1, 128>}, {pipeline_mode = #tpu.pipeline_mode<synchronous>, transform_indices = @transform_11, window_bounds = array<i64: 1, 128>}, {pipeline_mode = #tpu.pipeline_mode<synchronous>, transform_indices = @transform_12, window_bounds = array<i64: 1, 1>}, {transform_indices = @transform_13, window_bounds = array<i64: 2000, 128>}, {transform_indices = @transform_14, window_bounds = array<i64: 2000, 128>}]} {
    %get3A = arith.constant 0 : index
    %get3A_0 = arith.constant 0 : index
    %get3A_1 = vector.load %arg1[%get3A, %get3A_0] : memref<2000x128xf32, #tpu.memory_space<vmem>>, vector<2000x128xf32>
    %broadcast_in_dim3A = arith.constant 7.812500e-03 : f32
    %broadcast_in_dim3A_2 = vector.broadcast %broadcast_in_dim3A : f32 to vector<128x128xf32>
    %dot_general3A = arith.constant dense<0.000000e+00> : vector<2000x128xf32>
    %dot_general3A_3 = tpu.matmul %get3A_1, %broadcast_in_dim3A_2, %dot_general3A {dimension_numbers = #tpu.dot_dimension_numbers<[1], [0], [0], [1], [0, 0, 1, 1], [], []>, transpose_lhs_hint = false} : vector<2000x128xf32>, vector<128x128xf32>, vector<2000x128xf32> -> vector<2000x128xf32>
    %mul3A = arith.mulf %get3A_1, %get3A_1 : vector<2000x128xf32>
    %dot_general3A_4 = arith.constant dense<0.000000e+00> : vector<2000x128xf32>
    %dot_general3A_5 = tpu.matmul %mul3A, %broadcast_in_dim3A_2, %dot_general3A_4 {dimension_numbers = #tpu.dot_dimension_numbers<[1], [0], [0], [1], [0, 0, 1, 1], [], []>, transpose_lhs_hint = false} : vector<2000x128xf32>, vector<128x128xf32>, vector<2000x128xf32> -> vector<2000x128xf32>
    %mul3A_6 = arith.mulf %dot_general3A_3, %dot_general3A_3 : vector<2000x128xf32>
    %sub3A = arith.subf %dot_general3A_5, %mul3A_6 : vector<2000x128xf32>
    %sub3A_7 = arith.subf %get3A_1, %dot_general3A_3 : vector<2000x128xf32>
    %add3A = arith.constant 9.99999974E-6 : f32
    %add3A_8 = vector.broadcast %add3A : f32 to vector<2000x128xf32>
    %add3A_9 = arith.addf %sub3A, %add3A_8 : vector<2000x128xf32>
    %rsqrt3A = math.rsqrt %add3A_9 : vector<2000x128xf32>
    %mul3A_10 = arith.mulf %sub3A_7, %rsqrt3A : vector<2000x128xf32>
    %get3A_11 = arith.constant 0 : index
    %get3A_12 = arith.constant 0 : index
    %get3A_13 = vector.load %arg3[%get3A_11, %get3A_12] : memref<1x128xf32, #tpu.memory_space<vmem>>, vector<1x128xf32>
    %mul3A_14 = vector.broadcast %get3A_13 : vector<1x128xf32> to vector<2000x128xf32>
    %mul3A_15 = arith.mulf %mul3A_10, %mul3A_14 : vector<2000x128xf32>
    %get3A_16 = arith.constant 0 : index
    %get3A_17 = arith.constant 0 : index
    %get3A_18 = vector.load %arg4[%get3A_16, %get3A_17] : memref<1x128xf32, #tpu.memory_space<vmem>>, vector<1x128xf32>
    %add3A_19 = vector.broadcast %get3A_18 : vector<1x128xf32> to vector<2000x128xf32>
    %add3A_20 = arith.addf %mul3A_15, %add3A_19 : vector<2000x128xf32>
    %get3A_21 = arith.constant 0 : index
    %get3A_22 = arith.constant 0 : index
    %get3A_23 = vector.load %arg5[%get3A_21, %get3A_22] : memref<128x128xf32, #tpu.memory_space<vmem>>, vector<128x128xf32>
    %dot_general3A_24 = arith.constant dense<0.000000e+00> : vector<2000x128xf32>
    %dot_general3A_25 = tpu.matmul %add3A_20, %get3A_23, %dot_general3A_24 {dimension_numbers = #tpu.dot_dimension_numbers<[1], [0], [0], [1], [0, 0, 1, 1], [], []>, transpose_lhs_hint = false} : vector<2000x128xf32>, vector<128x128xf32>, vector<2000x128xf32> -> vector<2000x128xf32>
    %get3A_26 = arith.constant 0 : index
    %get3A_27 = arith.constant 0 : index
    %get3A_28 = vector.load %arg6[%get3A_26, %get3A_27] : memref<1x128xf32, #tpu.memory_space<vmem>>, vector<1x128xf32>
    %add3A_29 = vector.broadcast %get3A_28 : vector<1x128xf32> to vector<2000x128xf32>
    %add3A_30 = arith.addf %dot_general3A_25, %add3A_29 : vector<2000x128xf32>
    %max3A = arith.constant 0.000000e+00 : f32
    %max3A_31 = vector.broadcast %max3A : f32 to vector<2000x128xf32>
    %max3A_32 = arith.maximumf %add3A_30, %max3A_31 : vector<2000x128xf32>
    %get3A_33 = arith.constant 0 : index
    %get3A_34 = arith.constant 0 : index
    %get3A_35 = vector.load %arg7[%get3A_33, %get3A_34] : memref<128x128xf32, #tpu.memory_space<vmem>>, vector<128x128xf32>
    %dot_general3A_36 = arith.constant dense<0.000000e+00> : vector<2000x128xf32>
    %dot_general3A_37 = tpu.matmul %max3A_32, %get3A_35, %dot_general3A_36 {dimension_numbers = #tpu.dot_dimension_numbers<[1], [0], [0], [1], [0, 0, 1, 1], [], []>, transpose_lhs_hint = false} : vector<2000x128xf32>, vector<128x128xf32>, vector<2000x128xf32> -> vector<2000x128xf32>
    %add3A_38 = arith.addf %add3A_20, %dot_general3A_37 : vector<2000x128xf32>
    %get3A_39 = arith.constant 0 : index
    %get3A_40 = arith.constant 0 : index
    %get3A_41 = vector.load %arg8[%get3A_39, %get3A_40] : memref<1x128xf32, #tpu.memory_space<vmem>>, vector<1x128xf32>
    %add3A_42 = vector.broadcast %get3A_41 : vector<1x128xf32> to vector<2000x128xf32>
    %add3A_43 = arith.addf %add3A_38, %add3A_42 : vector<2000x128xf32>
    %swap3A = arith.constant 0 : index
    %swap3A_44 = arith.constant 0 : index
    %swap3A_45 = vector.load %arg14[%swap3A, %swap3A_44] : memref<2000x128xf32, #tpu.memory_space<vmem>>, vector<2000x128xf32>
    tpu.vector_store %arg14[%swap3A, %swap3A_44], %add3A_43 {strides = array<i32>} : memref<2000x128xf32, #tpu.memory_space<vmem>>, vector<2000x128xf32>,
    %get3A_46 = arith.constant 0 : index
    %get3A_47 = arith.constant 0 : index
    %get3A_48 = vector.load %arg2[%get3A_46, %get3A_47] : memref<2000x128xf32, #tpu.memory_space<vmem>>, vector<2000x128xf32>
    %slice3A = vector.extract_strided_slice %get3A_48 {offsets = [0, 0], sizes = [2000, 64], strides = [1, 1]} : vector<2000x128xf32> to vector<2000x64xf32>
    %slice3A_49 = vector.extract_strided_slice %get3A_48 {offsets = [0, 64], sizes = [2000, 64], strides = [1, 1]} : vector<2000x128xf32> to vector<2000x64xf32>
    %mul3A_50 = arith.mulf %slice3A, %slice3A_49 : vector<2000x64xf32>
    %slice3A_51 = vector.extract_strided_slice %mul3A_50 {offsets = [0, 0], sizes = [2000, 16], strides = [1, 1]} : vector<2000x64xf32> to vector<2000x16xf32>
    %slice3A_52 = vector.extract_strided_slice %mul3A_50 {offsets = [0, 16], sizes = [2000, 16], strides = [1, 1]} : vector<2000x64xf32> to vector<2000x16xf32>
    %add3A_53 = arith.addf %slice3A_51, %slice3A_52 : vector<2000x16xf32>
    %slice3A_54 = vector.extract_strided_slice %mul3A_50 {offsets = [0, 32], sizes = [2000, 16], strides = [1, 1]} : vector<2000x64xf32> to vector<2000x16xf32>
    %add3A_55 = arith.addf %add3A_53, %slice3A_54 : vector<2000x16xf32>
    %slice3A_56 = vector.extract_strided_slice %mul3A_50 {offsets = [0, 48], sizes = [2000, 16], strides = [1, 1]} : vector<2000x64xf32> to vector<2000x16xf32>
    %add3A_57 = arith.constant 9.99999993E-9 : f32
    %add3A_58 = vector.broadcast %add3A_57 : f32 to vector<2000x16xf32>
    %add3A_59 = arith.addf %slice3A_56, %add3A_58 : vector<2000x16xf32>
    %div3A = arith.divf %add3A_55, %add3A_59 : vector<2000x16xf32>
    %get3A_60 = arith.constant 0 : index
    %get3A_61 = arith.constant 0 : index
    %get3A_62 = vector.load %arg9[%get3A_60, %get3A_61] : memref<128x128xf32, #tpu.memory_space<vmem>>, vector<128x128xf32>
    %dot_general3A_63 = arith.constant dense<0.000000e+00> : vector<2000x128xf32>
    %dot_general3A_64 = tpu.matmul %get3A_48, %get3A_62, %dot_general3A_63 {dimension_numbers = #tpu.dot_dimension_numbers<[1], [0], [0], [1], [0, 0, 1, 1], [], []>, transpose_lhs_hint = false} : vector<2000x128xf32>, vector<128x128xf32>, vector<2000x128xf32> -> vector<2000x128xf32>
    %get3A_65 = arith.constant 0 : index
    %get3A_66 = arith.constant 0 : index
    %get3A_67 = vector.load %arg10[%get3A_65, %get3A_66] : memref<16x128xf32, #tpu.memory_space<vmem>>, vector<16x128xf32>
    %dot_general3A_68 = arith.constant dense<0.000000e+00> : vector<2000x128xf32>
    %dot_general3A_69 = tpu.matmul %div3A, %get3A_67, %dot_general3A_68 {dimension_numbers = #tpu.dot_dimension_numbers<[1], [0], [0], [1], [0, 0, 1, 1], [], []>, transpose_lhs_hint = false} : vector<2000x16xf32>, vector<16x128xf32>, vector<2000x128xf32> -> vector<2000x128xf32>
    %add3A_70 = arith.addf %dot_general3A_64, %dot_general3A_69 : vector<2000x128xf32>
    %get3A_71 = arith.constant 0 : index
    %get3A_72 = arith.constant 0 : index
    %get3A_73 = vector.load %arg11[%get3A_71, %get3A_72] : memref<1x128xf32, #tpu.memory_space<vmem>>, vector<1x128xf32>
    %add3A_74 = vector.broadcast %get3A_73 : vector<1x128xf32> to vector<2000x128xf32>
    %add3A_75 = arith.addf %add3A_70, %add3A_74 : vector<2000x128xf32>
    %max3A_76 = arith.constant 0.000000e+00 : f32
    %max3A_77 = vector.broadcast %max3A_76 : f32 to vector<2000x128xf32>
    %max3A_78 = arith.maximumf %add3A_75, %max3A_77 : vector<2000x128xf32>
    %get3A_79 = arith.constant 0 : index
    %get3A_80 = arith.constant 0 : index
    %get3A_81 = vector.load %arg12[%get3A_79, %get3A_80] : memref<1x128xf32, #tpu.memory_space<vmem>>, vector<1x128xf32>
    %mul3A_82 = vector.broadcast %get3A_81 : vector<1x128xf32> to vector<2000x128xf32>
    %mul3A_83 = arith.mulf %max3A_78, %mul3A_82 : vector<2000x128xf32>
    %reduce_sum3A = arith.constant dense<0.000000e+00> : vector<2000xf32>
    %reduce_sum3A_84 = vector.multi_reduction <add>, %mul3A_83, %reduce_sum3A [1] : vector<2000x128xf32> to vector<2000xf32>
    %broadcast_in_dim3A_85 = vector.shape_cast %reduce_sum3A_84 : vector<2000xf32> to vector<2000x1xf32>
    %get3A_86 = arith.constant 0 : index
    %get3A_87 = arith.constant 0 : index
    %get3A_88 = vector.load %arg13[%get3A_86, %get3A_87] : memref<1x1xf32, #tpu.memory_space<vmem>>, vector<1x1xf32>
    %add3A_89 = vector.broadcast %get3A_88 : vector<1x1xf32> to vector<2000x1xf32>
    %add3A_90 = arith.addf %broadcast_in_dim3A_85, %add3A_89 : vector<2000x1xf32>
    %logistic3A = arith.negf %add3A_90 : vector<2000x1xf32>
    %logistic3A_91 = math.exp %logistic3A : vector<2000x1xf32>
    %logistic3A_92 = arith.constant 1.000000e+00 : f32
    %logistic3A_93 = vector.broadcast %logistic3A_92 : f32 to vector<2000x1xf32>
    %logistic3A_94 = arith.addf %logistic3A_93, %logistic3A_91 : vector<2000x1xf32>
    %logistic3A_95 = arith.divf %logistic3A_93, %logistic3A_94 : vector<2000x1xf32>
    %mul3A_96 = vector.broadcast %logistic3A_95 : vector<2000x1xf32> to vector<2000x128xf32>
    %mul3A_97 = arith.mulf %add3A_43, %mul3A_96 : vector<2000x128xf32>
    %swap3A_98 = arith.constant 0 : index
    %swap3A_99 = arith.constant 0 : index
    %swap3A_100 = vector.load %arg15[%swap3A_98, %swap3A_99] : memref<2000x128xf32, #tpu.memory_space<vmem>>, vector<2000x128xf32>
    tpu.vector_store %arg15[%swap3A_98, %swap3A_99], %mul3A_97 {strides = array<i32>} : memref<2000x128xf32, #tpu.memory_space<vmem>>, vector<2000x128xf32>,
    return
  }
  func.func @transform_0(%arg0: i32) -> (i32, i32) {
    %c0_i32 = arith.constant 0 : i32
    %c0_i32_0 = arith.constant 0 : i32
    return %arg0, %c0_i32 : i32, i32
  }
  func.func @transform_1(%arg0: i32) -> (i32, i32) {
    %c0_i32 = arith.constant 0 : i32
    %c0_i32_0 = arith.constant 0 : i32
    return %arg0, %c0_i32 : i32, i32
  }
  func.func @transform_2(%arg0: i32) -> (i32, i32) {
    %c0_i32 = arith.constant 0 : i32
    %c0_i32_0 = arith.constant 0 : i32
    %c0_i32_1 = arith.constant 0 : i32
    return %c0_i32, %c0_i32_0 : i32, i32
  }
  func.func @transform_3(%arg0: i32) -> (i32, i32) {
    %c0_i32 = arith.constant 0 : i32
    %c0_i32_0 = arith.constant 0 : i32
    %c0_i32_1 = arith.constant 0 : i32
    return %c0_i32, %c0_i32_0 : i32, i32
  }
  func.func @transform_4(%arg0: i32) -> (i32, i32) {
    %c0_i32 = arith.constant 0 : i32
    %c0_i32_0 = arith.constant 0 : i32
    %c0_i32_1 = arith.constant 0 : i32
    return %c0_i32, %c0_i32_0 : i32, i32
  }
  func.func @transform_5(%arg0: i32) -> (i32, i32) {
    %c0_i32 = arith.constant 0 : i32
    %c0_i32_0 = arith.constant 0 : i32
    %c0_i32_1 = arith.constant 0 : i32
    return %c0_i32, %c0_i32_0 : i32, i32
  }
  func.func @transform_6(%arg0: i32) -> (i32, i32) {
    %c0_i32 = arith.constant 0 : i32
    %c0_i32_0 = arith.constant 0 : i32
    %c0_i32_1 = arith.constant 0 : i32
    return %c0_i32, %c0_i32_0 : i32, i32
  }
  func.func @transform_7(%arg0: i32) -> (i32, i32) {
    %c0_i32 = arith.constant 0 : i32
    %c0_i32_0 = arith.constant 0 : i32
    %c0_i32_1 = arith.constant 0 : i32
    return %c0_i32, %c0_i32_0 : i32, i32
  }
  func.func @transform_8(%arg0: i32) -> (i32, i32) {
    %c0_i32 = arith.constant 0 : i32
    %c0_i32_0 = arith.constant 0 : i32
    %c0_i32_1 = arith.constant 0 : i32
    return %c0_i32, %c0_i32_0 : i32, i32
  }
  func.func @transform_9(%arg0: i32) -> (i32, i32) {
    %c0_i32 = arith.constant 0 : i32
    %c0_i32_0 = arith.constant 0 : i32
    %c0_i32_1 = arith.constant 0 : i32
    return %c0_i32, %c0_i32_0 : i32, i32
  }
  func.func @transform_10(%arg0: i32) -> (i32, i32) {
    %c0_i32 = arith.constant 0 : i32
    %c0_i32_0 = arith.constant 0 : i32
    %c0_i32_1 = arith.constant 0 : i32
    return %c0_i32, %c0_i32_0 : i32, i32
  }
  func.func @transform_11(%arg0: i32) -> (i32, i32) {
    %c0_i32 = arith.constant 0 : i32
    %c0_i32_0 = arith.constant 0 : i32
    %c0_i32_1 = arith.constant 0 : i32
    return %c0_i32, %c0_i32_0 : i32, i32
  }
  func.func @transform_12(%arg0: i32) -> (i32, i32) {
    %c0_i32 = arith.constant 0 : i32
    %c0_i32_0 = arith.constant 0 : i32
    %c0_i32_1 = arith.constant 0 : i32
    return %c0_i32, %c0_i32_0 : i32, i32
  }
  func.func @transform_13(%arg0: i32) -> (i32, i32) {
    %c0_i32 = arith.constant 0 : i32
    %c0_i32_0 = arith.constant 0 : i32
    return %arg0, %c0_i32 : i32, i32
  }
  func.func @transform_14(%arg0: i32) -> (i32, i32) {
    %c0_i32 = arith.constant 0 : i32
    %c0_i32_0 = arith.constant 0 : i32
    return %arg0, %c0_i32 : i32, i32
  }
}

module attributes {stable_mosaic.version = 14 : i64} {
  func.func @_node_body(%arg0: i32, %arg1: memref<2x2000x128xf32, #tpu.memory_space<vmem>>, %arg2: memref<2000x128xf32, #tpu.memory_space<vmem>>, %arg3: memref<2000x48xf32, #tpu.memory_space<vmem>>, %arg4: memref<128x128xf32, #tpu.memory_space<vmem>>, %arg5: memref<1x128xf32, #tpu.memory_space<vmem>>, %arg6: memref<128x128xf32, #tpu.memory_space<vmem>>, %arg7: memref<1x128xf32, #tpu.memory_space<vmem>>, %arg8: memref<128x16xf32, #tpu.memory_space<vmem>>, %arg9: memref<1x16xf32, #tpu.memory_space<vmem>>, %arg10: memref<2000x128xf32, #tpu.memory_space<vmem>>, %arg11: memref<2000x48xf32, #tpu.memory_space<vmem>>) attributes {dimension_semantics = [#tpu.dimension_semantics<arbitrary>], iteration_bounds = array<i64: 5>, scalar_prefetch = 0 : i64, scratch_operands = 0 : i64, tpu.core_type = #tpu.core_type<tc>, window_params = [{transform_indices = @transform_0, window_bounds = array<i64: 2, 2000, 128>}, {transform_indices = @transform_1, window_bounds = array<i64: 2000, 128>}, {transform_indices = @transform_2, window_bounds = array<i64: 2000, 48>}, {pipeline_mode = #tpu.pipeline_mode<synchronous>, transform_indices = @transform_3, window_bounds = array<i64: 128, 128>}, {pipeline_mode = #tpu.pipeline_mode<synchronous>, transform_indices = @transform_4, window_bounds = array<i64: 1, 128>}, {pipeline_mode = #tpu.pipeline_mode<synchronous>, transform_indices = @transform_5, window_bounds = array<i64: 128, 128>}, {pipeline_mode = #tpu.pipeline_mode<synchronous>, transform_indices = @transform_6, window_bounds = array<i64: 1, 128>}, {pipeline_mode = #tpu.pipeline_mode<synchronous>, transform_indices = @transform_7, window_bounds = array<i64: 128, 16>}, {pipeline_mode = #tpu.pipeline_mode<synchronous>, transform_indices = @transform_8, window_bounds = array<i64: 1, 16>}, {transform_indices = @transform_9, window_bounds = array<i64: 2000, 128>}, {transform_indices = @transform_10, window_bounds = array<i64: 2000, 48>}]} {
    %get3A = arith.constant 0 : index
    %get3A_0 = arith.constant 0 : index
    %get3A_1 = arith.constant 0 : index
    %get3A_2 = vector.load %arg1[%get3A, %get3A_0, %get3A_1] : memref<2x2000x128xf32, #tpu.memory_space<vmem>>, vector<1x2000x128xf32>
    %get3A_3 = vector.shape_cast %get3A_2 : vector<1x2000x128xf32> to vector<2000x128xf32>
    %get3A_4 = arith.constant 1 : index
    %get3A_5 = arith.constant 0 : index
    %get3A_6 = arith.constant 0 : index
    %get3A_7 = vector.load %arg1[%get3A_4, %get3A_5, %get3A_6] : memref<2x2000x128xf32, #tpu.memory_space<vmem>>, vector<1x2000x128xf32>
    %get3A_8 = vector.shape_cast %get3A_7 : vector<1x2000x128xf32> to vector<2000x128xf32>
    %add3A = arith.addf %get3A_3, %get3A_8 : vector<2000x128xf32>
    %get3A_9 = arith.constant 0 : index
    %get3A_10 = arith.constant 0 : index
    %get3A_11 = vector.load %arg4[%get3A_9, %get3A_10] : memref<128x128xf32, #tpu.memory_space<vmem>>, vector<128x128xf32>
    %dot_general3A = arith.constant dense<0.000000e+00> : vector<2000x128xf32>
    %dot_general3A_12 = tpu.matmul %add3A, %get3A_11, %dot_general3A {dimension_numbers = #tpu.dot_dimension_numbers<[1], [0], [0], [1], [0, 0, 1, 1], [], []>, transpose_lhs_hint = false} : vector<2000x128xf32>, vector<128x128xf32>, vector<2000x128xf32> -> vector<2000x128xf32>
    %get3A_13 = arith.constant 0 : index
    %get3A_14 = arith.constant 0 : index
    %get3A_15 = vector.load %arg5[%get3A_13, %get3A_14] : memref<1x128xf32, #tpu.memory_space<vmem>>, vector<1x128xf32>
    %add3A_16 = vector.broadcast %get3A_15 : vector<1x128xf32> to vector<2000x128xf32>
    %add3A_17 = arith.addf %dot_general3A_12, %add3A_16 : vector<2000x128xf32>
    %max3A = arith.constant 0.000000e+00 : f32
    %max3A_18 = vector.broadcast %max3A : f32 to vector<2000x128xf32>
    %max3A_19 = arith.maximumf %add3A_17, %max3A_18 : vector<2000x128xf32>
    %get3A_20 = arith.constant 0 : index
    %get3A_21 = arith.constant 0 : index
    %get3A_22 = vector.load %arg2[%get3A_20, %get3A_21] : memref<2000x128xf32, #tpu.memory_space<vmem>>, vector<2000x128xf32>
    %get3A_23 = arith.constant 0 : index
    %get3A_24 = arith.constant 0 : index
    %get3A_25 = vector.load %arg6[%get3A_23, %get3A_24] : memref<128x128xf32, #tpu.memory_space<vmem>>, vector<128x128xf32>
    %dot_general3A_26 = arith.constant dense<0.000000e+00> : vector<2000x128xf32>
    %dot_general3A_27 = tpu.matmul %max3A_19, %get3A_25, %dot_general3A_26 {dimension_numbers = #tpu.dot_dimension_numbers<[1], [0], [0], [1], [0, 0, 1, 1], [], []>, transpose_lhs_hint = false} : vector<2000x128xf32>, vector<128x128xf32>, vector<2000x128xf32> -> vector<2000x128xf32>
    %add3A_28 = arith.addf %get3A_22, %dot_general3A_27 : vector<2000x128xf32>
    %get3A_29 = arith.constant 0 : index
    %get3A_30 = arith.constant 0 : index
    %get3A_31 = vector.load %arg7[%get3A_29, %get3A_30] : memref<1x128xf32, #tpu.memory_space<vmem>>, vector<1x128xf32>
    %add3A_32 = vector.broadcast %get3A_31 : vector<1x128xf32> to vector<2000x128xf32>
    %add3A_33 = arith.addf %add3A_28, %add3A_32 : vector<2000x128xf32>
    %get3A_34 = arith.constant 0 : index
    %get3A_35 = arith.constant 0 : index
    %get3A_36 = vector.load %arg8[%get3A_34, %get3A_35] : memref<128x16xf32, #tpu.memory_space<vmem>>, vector<128x16xf32>
    %dot_general3A_37 = arith.constant dense<0.000000e+00> : vector<2000x16xf32>
    %dot_general3A_38 = tpu.matmul %add3A_33, %get3A_36, %dot_general3A_37 {dimension_numbers = #tpu.dot_dimension_numbers<[1], [0], [0], [1], [0, 0, 1, 1], [], []>, transpose_lhs_hint = false} : vector<2000x128xf32>, vector<128x16xf32>, vector<2000x16xf32> -> vector<2000x16xf32>
    %get3A_39 = arith.constant 0 : index
    %get3A_40 = arith.constant 0 : index
    %get3A_41 = vector.load %arg9[%get3A_39, %get3A_40] : memref<1x16xf32, #tpu.memory_space<vmem>>, vector<1x16xf32>
    %add3A_42 = vector.broadcast %get3A_41 : vector<1x16xf32> to vector<2000x16xf32>
    %add3A_43 = arith.addf %dot_general3A_38, %add3A_42 : vector<2000x16xf32>
    %logistic3A = arith.negf %add3A_43 : vector<2000x16xf32>
    %logistic3A_44 = math.exp %logistic3A : vector<2000x16xf32>
    %logistic3A_45 = arith.constant 1.000000e+00 : f32
    %logistic3A_46 = vector.broadcast %logistic3A_45 : f32 to vector<2000x16xf32>
    %logistic3A_47 = arith.addf %logistic3A_46, %logistic3A_44 : vector<2000x16xf32>
    %logistic3A_48 = arith.divf %logistic3A_46, %logistic3A_47 : vector<2000x16xf32>
    %get3A_49 = arith.constant 0 : index
    %get3A_50 = arith.constant 0 : index
    %get3A_51 = vector.load %arg3[%get3A_49, %get3A_50] : memref<2000x48xf32, #tpu.memory_space<vmem>>, vector<2000x48xf32>
    %swap3A = arith.constant 0 : index
    %swap3A_52 = arith.constant 0 : index
    %swap3A_53 = vector.load %arg10[%swap3A, %swap3A_52] : memref<2000x128xf32, #tpu.memory_space<vmem>>, vector<2000x128xf32>
    tpu.vector_store %arg10[%swap3A, %swap3A_52], %add3A_33 {strides = array<i32>} : memref<2000x128xf32, #tpu.memory_space<vmem>>, vector<2000x128xf32>,
    %slice3A = vector.extract_strided_slice %get3A_51 {offsets = [0, 0], sizes = [2000, 16], strides = [1, 1]} : vector<2000x48xf32> to vector<2000x16xf32>
    %mul3A = arith.mulf %slice3A, %logistic3A_48 : vector<2000x16xf32>
    %slice3A_54 = vector.extract_strided_slice %get3A_51 {offsets = [0, 16], sizes = [2000, 16], strides = [1, 1]} : vector<2000x48xf32> to vector<2000x16xf32>
    %mul3A_55 = arith.mulf %slice3A_54, %logistic3A_48 : vector<2000x16xf32>
    %slice3A_56 = vector.extract_strided_slice %get3A_51 {offsets = [0, 32], sizes = [2000, 16], strides = [1, 1]} : vector<2000x48xf32> to vector<2000x16xf32>
    %mul3A_57 = arith.mulf %slice3A_56, %logistic3A_48 : vector<2000x16xf32>
    %concatenate3A = tpu.concatenate %mul3A, %mul3A_55, %mul3A_57 in 1 : vector<2000x16xf32>, vector<2000x16xf32>, vector<2000x16xf32> -> vector<2000x48xf32>
    %swap3A_58 = arith.constant 0 : index
    %swap3A_59 = arith.constant 0 : index
    %swap3A_60 = vector.load %arg11[%swap3A_58, %swap3A_59] : memref<2000x48xf32, #tpu.memory_space<vmem>>, vector<2000x48xf32>
    tpu.vector_store %arg11[%swap3A_58, %swap3A_59], %concatenate3A {strides = array<i32>} : memref<2000x48xf32, #tpu.memory_space<vmem>>, vector<2000x48xf32>,
    return
  }
  func.func @transform_0(%arg0: i32) -> (i32, i32, i32) {
    %c0_i32 = arith.constant 0 : i32
    %c0_i32_0 = arith.constant 0 : i32
    %c0_i32_1 = arith.constant 0 : i32
    return %c0_i32, %arg0, %c0_i32_0 : i32, i32, i32
  }
  func.func @transform_1(%arg0: i32) -> (i32, i32) {
    %c0_i32 = arith.constant 0 : i32
    %c0_i32_0 = arith.constant 0 : i32
    return %arg0, %c0_i32 : i32, i32
  }
  func.func @transform_2(%arg0: i32) -> (i32, i32) {
    %c0_i32 = arith.constant 0 : i32
    %c0_i32_0 = arith.constant 0 : i32
    return %arg0, %c0_i32 : i32, i32
  }
  func.func @transform_3(%arg0: i32) -> (i32, i32) {
    %c0_i32 = arith.constant 0 : i32
    %c0_i32_0 = arith.constant 0 : i32
    %c0_i32_1 = arith.constant 0 : i32
    return %c0_i32, %c0_i32_0 : i32, i32
  }
  func.func @transform_4(%arg0: i32) -> (i32, i32) {
    %c0_i32 = arith.constant 0 : i32
    %c0_i32_0 = arith.constant 0 : i32
    %c0_i32_1 = arith.constant 0 : i32
    return %c0_i32, %c0_i32_0 : i32, i32
  }
  func.func @transform_5(%arg0: i32) -> (i32, i32) {
    %c0_i32 = arith.constant 0 : i32
    %c0_i32_0 = arith.constant 0 : i32
    %c0_i32_1 = arith.constant 0 : i32
    return %c0_i32, %c0_i32_0 : i32, i32
  }
  func.func @transform_6(%arg0: i32) -> (i32, i32) {
    %c0_i32 = arith.constant 0 : i32
    %c0_i32_0 = arith.constant 0 : i32
    %c0_i32_1 = arith.constant 0 : i32
    return %c0_i32, %c0_i32_0 : i32, i32
  }
  func.func @transform_7(%arg0: i32) -> (i32, i32) {
    %c0_i32 = arith.constant 0 : i32
    %c0_i32_0 = arith.constant 0 : i32
    %c0_i32_1 = arith.constant 0 : i32
    return %c0_i32, %c0_i32_0 : i32, i32
  }
  func.func @transform_8(%arg0: i32) -> (i32, i32) {
    %c0_i32 = arith.constant 0 : i32
    %c0_i32_0 = arith.constant 0 : i32
    %c0_i32_1 = arith.constant 0 : i32
    return %c0_i32, %c0_i32_0 : i32, i32
  }
  func.func @transform_9(%arg0: i32) -> (i32, i32) {
    %c0_i32 = arith.constant 0 : i32
    %c0_i32_0 = arith.constant 0 : i32
    return %arg0, %c0_i32 : i32, i32
  }
  func.func @transform_10(%arg0: i32) -> (i32, i32) {
    %c0_i32 = arith.constant 0 : i32
    %c0_i32_0 = arith.constant 0 : i32
    return %arg0, %c0_i32 : i32, i32
  }
}

</mosaic_0001>

<sc_bundles>
// kernel: kernel.10.cloned.1.call-start
scs
__scs_entry_jumppad:
0x0: {  	(pc) =	sbr.rel $0x88, $3  }
0x1: {  	(tag) =	ssettag $0x0;
	lr =	simm.s32 $0x1  }
0x2: {  	[smem:$0x3F8D] =	sst lr;
	_ =	strace $0xD0000000  }
0x3: {  	_ = 	snop  }
0x4: {  	_ = 	snop  }
0x5: {  	_ = 	snop  }
0x6: {  	_ = 	snop  }
0x7: {  	_ = 	snop  }
__scs_overlays_trampoline_lowered:
0x8: {  	[smem:$0x3F9C] =	sst s0  }
0x9: {  	[smem:$0x3F9D] =	sst s1  }
0xa: {  	[smem:$0x3F9E] =	sst s2  }
0xb: {  	[smem:$0x3F9F] =	sst s3  }
0xc: {  	[smem:$0x3FA0] =	sst s4  }
0xd: {  	[smem:$0x3FA1] =	sst s5  }
0xe: {  	[smem:$0x3FA2] =	sst s6  }
0xf: {  	[smem:$0x3FA3] =	sst s7  }
0x10: {  	[smem:$0x3FA4] =	sst s8  }
0x11: {  	[smem:$0x3FA5] =	sst s9;
	s0 =	simm.s32 @!p0 $0x0  }
0x12: {  	s1 =	sld [smem:$0x3F8B];
	s0 =	simm.s32 @p0 $0x1  }
0x13: {  	[smem:$0x3FA6] =	sst s0;
	s0 =	simm.s32 @!p1 $0x0  }
0x14: {  	s2 =	sld [smem:$0x3F8A];
	s0 =	simm.s32 @p1 $0x1  }
0x15: {  	[smem:$0x3FA7] =	sst s0;
	s0 =	simm.s32 @!p2 $0x0  }
0x16: {  	s3 =	sld [smem:$0x3FDB];
	s0 =	simm.s32 @p2 $0x1  }
0x17: {  	s4 =	simm.s32 $0x1BF5;
	[smem:$0x3FA9] =	sst s0  }
0x18: {  	s0 =	sld [smem:$0x3F8C];
	_ =	swait.ge [sflag:s4], $0x0  }
0x19: {  	s7 =	sld [smem:$0x3F8D]  }
0x1a: {  	s8 =	sadd.s32 $0xFFFFE003, lr  }
0x1b: {  	s9 =	sadd.s32 $0xFFFFFEF7, lr;
	s5 =	simm.s32 $0xFFFFFFFF;
	p2 =	slt.u32 s8, $0xFFFFF086  }
0x1c: {  	p1 =	slt.u32 s9, $0xF7A;
	s5 =	simm.s32 @!p2 $0x0  }
0x1d: {  	s5 =	simm.s32 @p1 $0x1;
	p0 =	seq.s32 s7, s2  }
0x1e: {  	s7 =	smul.u32 @!p0 $0xF7A, s2;
	p2 =	seq.s32 @!p0 s5, $0x0  }
0x1f: {  	s9 =	smul.u32 $0xF7A, s1;
	s8 =	simm.s32 @!p0 $0x1BF5;
	p2 =	por !p2, p0  }
0x20: {  	[sflag:s8] =	ssyncset.s32 @!p0 $0xFFFFF086;
	s6 =	sadd.s32 @!p0 s3, s7;
	s7 =	simm.s32 @!p0 $0x108  }
0x21: {  	s3 =	sadd.s32 s3, s9;
	s6 =	sadd.s32 @!p0 $0x88, s6;
	s7 =	simm.s32 @p2 $0x1082  }
0x22: {  	[simem:s7], [sflag:s8] =	dma.local @!p0 [hbm:s6], $0xF7A  }
0x23: {  	s9 =	sor.u32 $0xD0000000, s2;
	s6 =	simm.s32 $0x108;
	_ =	swait.ge @!p0 [sflag:s8], $0x0  }
0x24: {  	s3 =	sadd.s32 $0x88, s3;
	s6 =	simm.s32 @!p1 $0x1082;
	[sflag:s4] =	ssyncset.s32 $0xFFFFF086  }
0x25: {  	[simem:s6], [sflag:s4] =	dma.local [hbm:s3], $0xF7A  }
0x26: {  	[smem:$0x3F8D] =	sst s1;
	(tag) =	ssettag s2;
	_ =	strace s9  }
0x27: {  	s1 =	sld [smem:$0x3F9D]  }
0x28: {  	s2 =	sld [smem:$0x3F9E]  }
0x29: {  	s4 =	sld [smem:$0x3FA0]  }
0x2a: {  	p0 =	seq.s32 s5, $0x0;
	s5 =	sld [smem:$0x3FA1]  }
0x2b: {  	s6 =	sld [smem:$0x3FA2]  }
0x2c: {  	s7 =	sld [smem:$0x3FA3]  }
0x2d: {  	s3 =	simm.s32 $0x108;
	s8 =	sld [smem:$0x3FA4]  }
0x2e: {  	s3 =	simm.s32 @!p0 $0x1082;
	s9 =	sld [smem:$0x3FA5]  }
0x2f: {  	lr =	sadd.s32 s0, s3;
	s0 =	sld [smem:$0x3F9C]  }
0x30: {  	s3 =	sld [smem:$0x3F9F]  }
0x31: {  	[smem:$0x3FA8] =	sst s10  }
0x32: {  	s10 =	sld [smem:$0x3FA6];
	_ =	sdelay $0x3  }
0x33: {  	p0 =	seq.s32 s10, $0x1;
	s10 =	sld [smem:$0x3FA8];
	_ =	sdelay $0x3  }
0x34: {  	[smem:$0x3FA8] =	sst s10  }
0x35: {  	s10 =	sld [smem:$0x3FA7];
	_ =	sdelay $0x3  }
0x36: {  	p1 =	seq.s32 s10, $0x1;
	s10 =	sld [smem:$0x3FA8];
	_ =	sdelay $0x3  }
0x37: {  	[smem:$0x3FA8] =	sst s10  }
0x38: {  	s10 =	sld [smem:$0x3FA9]  }
0x39: {  	_ = 	snop;
	(pc) =	sbr.ind lr, $3  }
0x3a: {  	_ = 	snop  }
0x3b: {  	_ = 	snop  }
0x3c: {  	p2 =	seq.s32 s10, $0x1;
	s10 =	sld [smem:$0x3FA8]  }
0x3d: {  	_ =	shalt  }
0x3e: {  	_ =	shalt  }
0x3f: {  	_ =	shalt  }
0x40: {  	_ =	shalt  }
0x41: {  	_ =	shalt  }
0x42: {  	_ =	shalt  }
0x43: {  	_ =	shalt  }
0x44: {  	_ =	shalt  }
0x45: {  	_ =	shalt  }
0x46: {  	_ =	shalt  }
0x47: {  	_ =	shalt  }
0x48: {  	_ =	shalt  }
0x49: {  	_ =	shalt  }
0x4a: {  	_ =	shalt  }
0x4b: {  	_ =	shalt  }
0x4c: {  	_ =	shalt  }
0x4d: {  	_ =	shalt  }
0x4e: {  	_ =	shalt  }
0x4f: {  	_ =	shalt  }
0x50: {  	_ =	shalt  }
0x51: {  	_ =	shalt  }
0x52: {  	_ =	shalt  }
0x53: {  	_ =	shalt  }
0x54: {  	_ =	shalt  }
0x55: {  	_ =	shalt  }
0x56: {  	_ =	shalt  }
0x57: {  	_ =	shalt  }
0x58: {  	_ =	shalt  }
0x59: {  	_ =	shalt  }
0x5a: {  	_ =	shalt  }
0x5b: {  	_ =	shalt  }
0x5c: {  	_ =	shalt  }
0x5d: {  	_ =	shalt  }
0x5e: {  	_ =	shalt  }
0x5f: {  	_ =	shalt  }
0x60: {  	_ =	shalt  }
0x61: {  	_ =	shalt  }
0x62: {  	_ =	shalt  }
0x63: {  	_ =	shalt  }
0x64: {  	_ =	shalt  }
0x65: {  	_ =	shalt  }
0x66: {  	_ =	shalt  }
0x67: {  	_ =	shalt  }
0x68: {  	_ =	shalt  }
0x69: {  	_ =	shalt  }
0x6a: {  	_ =	shalt  }
0x6b: {  	_ =	shalt  }
0x6c: {  	_ =	shalt  }
0x6d: {  	_ =	shalt  }
0x6e: {  	_ =	shalt  }
0x6f: {  	_ =	shalt  }
0x70: {  	_ =	shalt  }
0x71: {  	_ =	shalt  }
0x72: {  	_ =	shalt  }
0x73: {  	_ =	shalt  }
0x74: {  	_ =	shalt  }
0x75: {  	_ =	shalt  }
0x76: {  	_ =	shalt  }
0x77: {  	_ =	shalt  }
0x78: {  	_ =	shalt  }
0x79: {  	_ =	shalt  }
0x7a: {  	_ =	shalt  }
0x7b: {  	_ =	shalt  }
0x7c: {  	_ =	shalt  }
0x7d: {  	_ =	shalt  }
0x7e: {  	_ =	shalt  }
0x7f: {  	_ =	shalt  }
0x80: {  	_ =	shalt  }
0x81: {  	_ =	shalt  }
0x82: {  	_ =	shalt  }
0x83: {  	_ =	shalt  }
0x84: {  	_ =	shalt  }
0x85: {  	_ =	shalt  }
0x86: {  	_ =	shalt  }
0x87: {  	_ =	shalt  }
.Lfunc_end0:
.L_simem_size_0:
called_computation.1_lowered:
.L_overlay_start_0:
0x88: {  	s2 =	sld [smem:$0x3FD9]  }
0x89: {  	s3 =	sld [smem:$0x3FFE];
	_ =	sdelay $0x1  }
0x8a: {  	s1 =	srdreg.scid  }
0x8b: {  	s0 =	sand.u32 $0x1, s1  }
0x8c: {  	s16 =	sshll.u32 s0, $0xA;
	s2 =	sadd.s32 s3, s2  }
0x8d: {  	s2 =	sadd.s32 s2, s16  }
0x8e: {  	[smem:$0x3FB4] =	sst s2  }
0x8f: {  	_ = 	snop  }
0x90: {  	(tm) =	ssettm $0x1  }
0x91: {  	s17 =	sld [smem:$0x3FFB];
	_ =	sdelay $0x3  }
0x92: {  	_ =	strace s17  }
0x93: {  	s2 =	sld [smem:$0x3FFC];
	_ =	sdelay $0x3  }
0x94: {  	_ =	strace s2  }
0x95: {  	s2 =	sld [smem:$0x3FFD];
	_ =	sdelay $0x3  }
0x96: {  	_ =	strace s2  }
0x97: {  	_ =	strace $0x8FFFFFFF  }
0x98: {  	s18 =	sld [smem:$0x3FDB];
	_ =	sdelay $0x1  }
0x99: {  	s19 =	simm.s32 $_scs_section_size  }
0x9a: {  	s4 =	simm.s32 $_size__tile_overlayer_lowered;
	s5 =	simm.s32 $_tile_overlayer_lowered  }
0x9b: {  	s22 =	simm.s32 $0x1BFF;
	s21 =	sshll.u32 s5, $0x1;
	s2 =	sadd.s32 s19, s18  }
0x9c: {  	s6 =	simm.s32 $0x0;
	s20 =	sshll.u32 s4, $0x1;
	s4 =	sadd.s32 s21, s2  }
0x9d: {  	[timem:s6], [sflag:s22] =	dma.local [hbm:s4], s20  }
0x9e: {  	_ =	swait.ge [sflag:s22], s20  }
0x9f: {  	s3 =	ssub.s32 $0x0, s20;
	[sflag:s22] =	ssyncset.done $0x0  }
0xa0: {  	[sflag:s22] =	ssyncadd.s32 s3;
	_ =	sdelay $0x1  }
0xa1: {  	s23 =	simm.s32 $0x1B8B  }
0xa2: {  	_ =	swait.ge [sflag:s23], $0x1  }
0xa3: {  	[sflag:s23] =	ssyncset.done $0x0  }
0xa4: {  	s25 =	simm.s32 $0x1B8E;
	s24 =	sld [smem:$0x3FFE];
	[sflag:s23] =	ssyncadd.s32 $0xFFFFFFFF  }
0xa5: {  	s26 =	simm.s32 $execute0_lowered;
	[smem:$0x3FD2] =	sst s25  }
0xa6: {  	s4 =	sshll.u32 s26, $0x1;
	_ =	strace $0x80000049;
	[dreg:$0x1] =	wrdreg $0xFFFFFFFF  }
0xa7: {  	s28 =	simm.s32 $_size_execute0_lowered;
	s2 =	sadd.s32 s2, s4;
	[dreg:$0x0] =	wrdreg $0x0  }
0xa8: {  	s4 =	sshll.u32 s28, $0x1;
	[dreg:$0x2] =	wrdreg s2  }
0xa9: {  	[dreg:$0x3] =	wrdreg s4  }
0xaa: {  	[dreg:$0x4] =	wrdreg $0xC0  }
0xab: {  	_ =	task [dreg:s6], $0x5FFFF  }
0xac: {  	[dreg:$0x1] =	wrdreg $0xFFFFFFFF  }
0xad: {  	[dreg:$0x0] =	wrdreg $0x60  }
0xae: {  	[dreg:$0x2] =	wrdreg s24  }
0xaf: {  	[dreg:$0x3] =	wrdreg $0x8F200  }
0xb0: {  	[dreg:$0x4] =	wrdreg $0x9  }
0xb1: {  	_ =	task.clear_ibuf [dreg:s6], $0x5FFFF;
	_ =	strace $0x90000049  }
0xb2: {  	s29 =	simm.s32 $0x9;
	_ =	strace $0x8000004B  }
0xb3: {  	_ =	swait.ge [sflag:s29], $0x1  }
0xb4: {  	[sflag:s29] =	ssyncadd.s32 $0xFFFFFFFF  }
0xb5: {  	_ =	strace $0x9000004B  }
0xb6: {  	_ =	sfence  }
0xb7: {  	s30 =	sld [smem:$0x0];
	_ =	sdelay $0x2  }
0xb8: {  	s31 =	sshll.u32 s1, $0xD;
	s1 =	sshrl.u32 s1, $0x2  }
0xb9: {  	s3 =	sand.u32 $0x4000, s31;
	s1 =	sadd.s32 s1, s30  }
0xba: {  	s0 =	sor.u32 s3, s0;
	s1 =	sshll.u32 s1, $0x11  }
0xbb: {  	s0 =	sor.u32 s1, s0  }
0xbc: {  	s0 =	sadd.s32 $0x8F2B, s0  }
0xbd: {  	[sflag:s0] =	ssyncadd.remote.s32 $0x1  }
0xbe: {  	_ =	sfence.sel $0xFFFF  }
0xbf: {  	[dreg:$0x0] =	wrdreg $0xFFFFFFFF;
	(pc) =	sbr.abs _section_cstart, $3  }
0xc0: {  	[dreg:$0x1] =	wrdreg $0xFFFFFFFF  }
0xc1: {  	_ =	task.clear_ibuf [dreg:s6], $0x2FFFF;
	_ =	strace $0x9FFFFFFF  }
0xc2: {  	(tm) =	ssettm $0x7FFFFFFF  }
0xc3: {  	_ =	shalt  }
tec
execute0_lowered:
.L_overlay_start_1:
0x0: {  	(tag) =	ssettag $0x1  }
0x1: {  	s0 =	rddreg [dreg:$0x0]  }
0x2: {  	s2 =	rddreg [dreg:$0x1];
	s3 =	simm.s32 $0x0;
	s1 =	srdreg.scid  }
0x3: {  	s12 =	stileid.u32;
	s28 =	simm.s32 $0x1;
	s29 =	simm.s32 $0x2  }
0x4: {  	s30 =	simm.s32 $0x0;
	[smem:$0x7FF] =	sst s3;
	s5 =	smul.u32 $0x2710, s12  }
0x5: {  	s1 =	sand.u32 $0x1, s1;
	s7 =	sshll.u32 s12, $0x1;
	s8 =	smul.u32 $0x4E200, s12  }
0x6: {  	s21 =	sadd.s32 $0x4EF000, s0;
	s4 =	sadd.s32 $0x3000, s0;
	s6 =	smul.u32 $0x27100, s1  }
0x7: {  	s7 =	sor.u32 s1, s7;
	s17 =	ssub.s32 $0x2, s1;
	s1 =	smul.u32 $0x2710, s1  }
0x8: {  	_ =	strace $0x8000004A;
	s16 =	smul.u32 $0x2710, s7;
	s18 =	sshrl.u32 s17, $0x1  }
0x9: {  	s7 =	smul.u32 $0x27100, s7;
	s11 =	sshrl.u32 s8, $0x2;
	s5 =	sadd.s32 s5, s6  }
0xa: {  	s0 =	sadd.s32 s5, s0;
	s5 =	ssub.s32 s17, s18;
	s19 =	sshrl.u32 s16, $0x3  }
0xb: {  	s20 =	sadd.s32 s21, s7;
	s22 =	sadd.s32 $0x50, s16;
	s17 =	smul.u32 $0x4E20, s12  }
0xc: {  	s23 =	sadd.s32 $0x26C0, s16;
	s6 =	sadd.s32 s4, s19;
	[dreg:$0x4] =	wrdreg s20  }
0xd: {  	s9 =	sshrl.u32 s22, $0x3;
	s10 =	sshll.u32 s22, $0x4;
	s14 =	sadd.s32 $0xCE00, s0  }
0xe: {  	s15 =	smax.u32 s5, $0x1;
	s24 =	sshrl.u32 s23, $0x3;
	s0 =	sshll.u32 s23, $0x4  }
0xf: {  	s22 =	simm.s32 $0xA0;
	s23 =	simm.s32 $0x50;
	[dreg:$0x3] =	wrdreg s6  }
0x10: {  	s7 =	sadd.s32 s4, s9;
	s8 =	sadd.s32 s21, s10;
	s9 =	sadd.s32 s11, s2  }
0x11: {  	s1 =	sadd.s32 s1, s17;
	s16 =	sadd.s32 s4, s24;
	s17 =	sadd.s32 s21, s0  }
0x12: {  	s24 =	simm.s32 $0x28A0;
	s10 =	sadd.s32 $0x3E80, s9;
	s11 =	sadd.s32 $0x7D00, s9  }
0x13: {  	s12 =	sadd.s32 $0xBB80, s9;
	s13 =	sadd.s32 $0xFA00, s9;
	s25 =	sadd.s32 $0xF0, s1  }
0x14: {  	s18 =	sadd.s32 $0xA0, s1;
	s26 =	sshll.u32 s25, $0x4;
	s0 =	sshrl.u32 s25, $0x3  }
0x15: {  	s31 =	sshll.u32 s18, $0x4;
	s25 =	simm.s32 $0x50A0;
	s19 =	sadd.s32 s26, s21  }
0x16: {  	v0 =	vimm.f32 $0.0e+00;
	s20 =	sadd.s32 s0, s4;
	s21 =	sadd.s32 s31, s21;
	s26 =	simm.s32 $0x3  }
.LBB2_1:
0x17: {  	s0 =	rddreg [dreg:$0x3]  }
0x18: {  	[tilespmem:s3], [sflag:$0x1] =	stream.linear.gather [hbm4b:s0+s3], $0x50, $0x38;
	[tilespmem:$0x1C7A0] =	vst v63  }
0x19: {  	s31 =	rddreg [dreg:$0x4]  }
0x1a: {  	[tilespmem:s22], [sflag:$0x1] =	stream.linear.gather [hbm4b:s31+s3], $0x2800, $0x38;
	[tilespmem:$0x1C7A0] =	vst v63  }
0x1b: {  	_ = 	snop  }
0x1c: {  	[tilespmem:s23], [sflag:$0x2] =	stream.linear.gather [hbm4b:s7+s3], $0x50, $0x38;
	[tilespmem:$0x1C7A0] =	vst v63  }
0x1d: {  	s1 =	simm.s32 $0x200;
	s0 =	simm.s32 $0x0  }
0x1e: {  	[tilespmem:s24], [sflag:$0x2] =	stream.linear.gather [hbm4b:s8+s3], $0x2800, $0x38;
	[tilespmem:$0x1C7A0] =	vst v63  }
.LBB2_2:
0x1f: {  	p0 =	sne.s32 s1, $0xF800;
	[tilespmem:s0+$0x5110] =	vst v0  }
0x20: {  	[tilespmem:s0+$0x50A0] =	vst v0  }
0x21: {  	[tilespmem:s0+$0x50B0] =	vst v0  }
.Ltmp0:
0x22: {  	[tilespmem:s0+$0x50C0] =	vst v0;
	(pc) =	sbr.rel @p0 .LBB2_2-.Ltmp0, $4  }
0x23: {  	[tilespmem:s0+$0x50D0] =	vst v0  }
0x24: {  	[tilespmem:s0+$0x50E0] =	vst v0  }
0x25: {  	[tilespmem:s0+$0x50F0] =	vst v0  }
0x26: {  	[tilespmem:s0+$0x5100] =	vst v0;
	s0 =	sshra.s32 s1, $0x2;
	s1 =	sadd.s32 $0x200, s1  }
0x27: {  	[tilespmem:s0+$0x5110] =	vst v0  }
0x28: {  	[tilespmem:s0+$0x50A0] =	vst v0  }
0x29: {  	[tilespmem:s0+$0x50B0] =	vst v0  }
0x2a: {  	[tilespmem:s0+$0x50C0] =	vst v0  }
0x2b: {  	[tilespmem:s0+$0x50D0] =	vst v0  }
0x2c: {  	[tilespmem:s0+$0x50E0] =	vst v0  }
0x2d: {  	[tilespmem:s0+$0x50F0] =	vst v0  }
0x2e: {  	[tilespmem:s0+$0x5100] =	vst v0  }
0x2f: {  	[spmem:s9] =	stream.linear.scatter [tilespmem:s25], [sflag:$0x3], $0x3E80, $0x38;
	[tilespmem:$0x1C7A0] =	vst v63  }
0x30: {  	_ =	swait.ge [sflag:s26], $0x3E80  }
0x31: {  	[sflag:s26] =	ssyncset.done $0x0  }
0x32: {  	[sflag:s26] =	ssyncadd.s32 $0xFFFFC180  }
0x33: {  	[spmem:s10] =	stream.linear.scatter [tilespmem:s25], [sflag:$0x3], $0x3E80, $0x38;
	[tilespmem:$0x1C7A0] =	vst v63  }
0x34: {  	_ =	swait.ge [sflag:s26], $0x3E80  }
0x35: {  	[sflag:s26] =	ssyncset.done $0x0  }
0x36: {  	[sflag:s26] =	ssyncadd.s32 $0xFFFFC180  }
0x37: {  	[spmem:s11] =	stream.linear.scatter [tilespmem:s25], [sflag:$0x3], $0x3E80, $0x38;
	[tilespmem:$0x1C7A0] =	vst v63  }
0x38: {  	_ =	swait.ge [sflag:s26], $0x3E80  }
0x39: {  	[sflag:s26] =	ssyncset.done $0x0  }
0x3a: {  	[sflag:s26] =	ssyncadd.s32 $0xFFFFC180  }
0x3b: {  	[spmem:s12] =	stream.linear.scatter [tilespmem:s25], [sflag:$0x3], $0x3E80, $0x38;
	[tilespmem:$0x1C7A0] =	vst v63  }
0x3c: {  	_ =	swait.ge [sflag:s26], $0x3E80  }
0x3d: {  	[sflag:s26] =	ssyncset.done $0x0  }
0x3e: {  	[sflag:s26] =	ssyncadd.s32 $0xFFFFC180  }
0x3f: {  	[spmem:s13] =	stream.linear.scatter [tilespmem:s25], [sflag:$0x3], $0x3E80, $0x38;
	[tilespmem:$0x1C7A0] =	vst v63  }
0x40: {  	_ =	swait.ge [sflag:s26], $0x3E80  }
0x41: {  	[sflag:s26] =	ssyncset.done $0x0  }
0x42: {  	[sflag:s26] =	ssyncadd.s32 $0xFFFFC180  }
0x43: {  	[bflag:$0x0] =	sbarrier.arrive $0xFFFF  }
0x44: {  	_ =	swait.ge [sflag:s28], $0x50  }
0x45: {  	[sflag:s28] =	ssyncset.done $0x0  }
0x46: {  	[sflag:s28] =	ssyncadd.s32 $0xFFFFFFB0  }
0x47: {  	_ =	swait.ge [sflag:s28], $0x2800  }
0x48: {  	[sflag:s28] =	ssyncset.done $0x0  }
0x49: {  	[sflag:s28] =	ssyncadd.s32 $0xFFFFD800  }
0x4a: {  	[spmem:s2] =	stream.indirect.scatter.add.f32 [tilespmem:s22], [sflag:$0x3], $0x80, s3, s23, $0xb8;
	[tilespmem:$0x1C7A0] =	vst v63  }
0x4b: {  	_ =	swait.ge [sflag:s26], $0x2800  }
0x4c: {  	s5 =	sshrl.u32 s18, $0x3;
	[sflag:s26] =	ssyncset.done $0x0  }
0x4d: {  	s0 =	sadd.s32 s4, s5;
	[sflag:s26] =	ssyncadd.s32 $0xFFFFD800  }
0x4e: {  	[tilespmem:s3], [sflag:$0x1] =	stream.linear.gather [hbm4b:s0+s3], $0x50, $0x38;
	[tilespmem:$0x1C7A0] =	vst v63  }
0x4f: {  	s6 =	sadd.s32 $0x0, s21  }
0x50: {  	[tilespmem:s22], [sflag:$0x1] =	stream.linear.gather [hbm4b:s6+s3], $0x2800, $0x38;
	[tilespmem:$0x1C7A0] =	vst v63  }
0x51: {  	_ =	swait.ge [sflag:s29], $0x50  }
0x52: {  	[sflag:s29] =	ssyncset.done $0x0  }
0x53: {  	[sflag:s29] =	ssyncadd.s32 $0xFFFFFFB0  }
0x54: {  	_ =	swait.ge [sflag:s29], $0x2800  }
0x55: {  	[sflag:s29] =	ssyncset.done $0x0  }
0x56: {  	[sflag:s29] =	ssyncadd.s32 $0xFFFFD800  }
0x57: {  	[spmem:s2] =	stream.indirect.scatter.add.f32 [tilespmem:s24], [sflag:$0x3], $0x80, s23, s23, $0xb8;
	[tilespmem:$0x1C7A0] =	vst v63  }
0x58: {  	_ =	swait.ge [sflag:s26], $0x2800  }
0x59: {  	s31 =	simm.s32 $0xA00;
	s1 =	sadd.s32 $0xA0, s18;
	[sflag:s26] =	ssyncset.done $0x0  }
0x5a: {  	s5 =	sadd.s32 $0x0, s19;
	s0 =	sadd.s32 $0x14, s20;
	[sflag:s26] =	ssyncadd.s32 $0xFFFFD800  }
0x5b: {  	[tilespmem:s23], [sflag:$0x2] =	stream.linear.gather [hbm4b:s20+s3], $0x50, $0x38;
	[tilespmem:$0x1C7A0] =	vst v63  }
.LBB2_4:
0x5c: {  	[tilespmem:s24], [sflag:$0x2] =	stream.linear.gather [hbm4b:s5+s3], $0x2800, $0x38;
	[tilespmem:$0x1C7A0] =	vst v63  }
0x5d: {  	s5 =	smov.u32 s31  }
0x5e: {  	p0 =	sne.s32 s31, $0x25800;
	s31 =	sadd.s32 $0xA00, s31;
	_ =	swait.ge [sflag:s28], $0x50  }
0x5f: {  	[sflag:s28] =	ssyncset.done $0x0  }
0x60: {  	[sflag:s28] =	ssyncadd.s32 $0xFFFFFFB0  }
0x61: {  	_ =	swait.ge [sflag:s28], $0x2800  }
0x62: {  	[sflag:s28] =	ssyncset.done $0x0  }
0x63: {  	[sflag:s28] =	ssyncadd.s32 $0xFFFFD800  }
0x64: {  	[spmem:s2] =	stream.indirect.scatter.add.f32 [tilespmem:s22], [sflag:$0x3], $0x80, s3, s23, $0xb8;
	[tilespmem:$0x1C7A0] =	vst v63  }
0x65: {  	_ =	swait.ge [sflag:s26], $0x2800  }
0x66: {  	s6 =	sshrl.u32 s1, $0x3;
	[sflag:s26] =	ssyncset.done $0x0  }
0x67: {  	s6 =	sadd.s32 s4, s6;
	[sflag:s26] =	ssyncadd.s32 $0xFFFFD800  }
0x68: {  	[tilespmem:s3], [sflag:$0x1] =	stream.linear.gather [hbm4b:s6+s3], $0x50, $0x38;
	[tilespmem:$0x1C7A0] =	vst v63  }
0x69: {  	s6 =	sadd.s32 s5, s21  }
0x6a: {  	[tilespmem:s22], [sflag:$0x1] =	stream.linear.gather [hbm4b:s6+s3], $0x2800, $0x38;
	[tilespmem:$0x1C7A0] =	vst v63  }
0x6b: {  	_ =	swait.ge [sflag:s29], $0x50  }
0x6c: {  	[sflag:s29] =	ssyncset.done $0x0  }
0x6d: {  	[sflag:s29] =	ssyncadd.s32 $0xFFFFFFB0  }
0x6e: {  	_ =	swait.ge [sflag:s29], $0x2800  }
0x6f: {  	[sflag:s29] =	ssyncset.done $0x0  }
0x70: {  	[sflag:s29] =	ssyncadd.s32 $0xFFFFD800  }
0x71: {  	[spmem:s2] =	stream.indirect.scatter.add.f32 [tilespmem:s24], [sflag:$0x3], $0x80, s23, s23, $0xb8;
	[tilespmem:$0x1C7A0] =	vst v63  }
.Ltmp1:
0x72: {  	_ =	swait.ge [sflag:s26], $0x2800;
	(pc) =	sbr.rel @p0 .LBB2_4-.Ltmp1, $4  }
0x73: {  	[sflag:s26] =	ssyncset.done $0x0  }
0x74: {  	[sflag:s26] =	ssyncadd.s32 $0xFFFFD800  }
0x75: {  	[tilespmem:s23], [sflag:$0x2] =	stream.linear.gather [hbm4b:s0+s3], $0x50, $0x38;
	[tilespmem:$0x1C7A0] =	vst v63  }
0x76: {  	s1 =	sadd.s32 $0xA0, s1;
	s5 =	sadd.s32 s5, s19;
	s0 =	sadd.s32 $0x14, s0  }
0x77: {  	[tilespmem:s24], [sflag:$0x2] =	stream.linear.gather [hbm4b:s5+s3], $0x2800, $0x38;
	[tilespmem:$0x1C7A0] =	vst v63  }
0x78: {  	_ =	swait.ge [sflag:s28], $0x50  }
0x79: {  	[sflag:s28] =	ssyncset.done $0x0  }
0x7a: {  	[sflag:s28] =	ssyncadd.s32 $0xFFFFFFB0  }
0x7b: {  	_ =	swait.ge [sflag:s28], $0x2800  }
0x7c: {  	[sflag:s28] =	ssyncset.done $0x0  }
0x7d: {  	[sflag:s28] =	ssyncadd.s32 $0xFFFFD800  }
0x7e: {  	[spmem:s2] =	stream.indirect.scatter.add.f32 [tilespmem:s22], [sflag:$0x3], $0x80, s3, s23, $0xb8;
	[tilespmem:$0x1C7A0] =	vst v63  }
0x7f: {  	_ =	swait.ge [sflag:s26], $0x2800  }
0x80: {  	[sflag:s26] =	ssyncset.done $0x0  }
0x81: {  	[sflag:s26] =	ssyncadd.s32 $0xFFFFD800  }
0x82: {  	[tilespmem:s3], [sflag:$0x1] =	stream.linear.gather [hbm4b:s16+s3], $0x50, $0x38;
	[tilespmem:$0x1C7A0] =	vst v63  }
0x83: {  	_ = 	snop  }
0x84: {  	[tilespmem:s22], [sflag:$0x1] =	stream.linear.gather [hbm4b:s17+s3], $0x2800, $0x38;
	[tilespmem:$0x1C7A0] =	vst v63  }
0x85: {  	_ =	swait.ge [sflag:s29], $0x50  }
0x86: {  	[sflag:s29] =	ssyncset.done $0x0  }
0x87: {  	[sflag:s29] =	ssyncadd.s32 $0xFFFFFFB0  }
0x88: {  	_ =	swait.ge [sflag:s29], $0x2800  }
0x89: {  	[sflag:s29] =	ssyncset.done $0x0  }
0x8a: {  	[sflag:s29] =	ssyncadd.s32 $0xFFFFD800  }
0x8b: {  	[spmem:s2] =	stream.indirect.scatter.add.f32 [tilespmem:s24], [sflag:$0x3], $0x80, s23, s23, $0xb8;
	[tilespmem:$0x1C7A0] =	vst v63  }
0x8c: {  	_ =	swait.ge [sflag:s26], $0x2800  }
0x8d: {  	[sflag:s26] =	ssyncset.done $0x0  }
0x8e: {  	[sflag:s26] =	ssyncadd.s32 $0xFFFFD800  }
0x8f: {  	_ =	swait.ge [sflag:s28], $0x50  }
0x90: {  	[sflag:s28] =	ssyncset.done $0x0  }
0x91: {  	[sflag:s28] =	ssyncadd.s32 $0xFFFFFFB0  }
0x92: {  	_ =	swait.ge [sflag:s28], $0x2800  }
0x93: {  	[sflag:s28] =	ssyncset.done $0x0  }
0x94: {  	[sflag:s28] =	ssyncadd.s32 $0xFFFFD800  }
0x95: {  	[spmem:s2] =	stream.indirect.scatter.add.f32 [tilespmem:s22], [sflag:$0x3], $0x80, s3, s23, $0xb8;
	[tilespmem:$0x1C7A0] =	vst v63  }
0x96: {  	s0 =	stileid.u32;
	_ =	swait.ge [sflag:s26], $0x2800  }
0x97: {  	s1 =	sshrl.u32 s9, $0x3;
	s30 =	sadd.s32 $0x1, s30;
	[sflag:s26] =	ssyncset.done $0x0  }
0x98: {  	s0 =	sshll.u32 s0, $0x6;
	p0 =	sne.s32 s30, s15;
	[sflag:s26] =	ssyncadd.s32 $0xFFFFD800  }
.Ltmp2:
0x99: {  	s0 =	sor.u32 $0x1C03, s0;
	[bflag:$0x0] =	sbarrier.arrive $0xFFFF;
	(pc) =	sbr.rel @p0 .LBB2_1-.Ltmp2, $4  }
0x9a: {  	[hbm:s14], [sflag:s0] =	dma.local [spmem:s1], $0x2710  }
0x9b: {  	_ =	swait.ge [sflag:s26], $0x2710  }
0x9c: {  	[sflag:s26] =	ssyncset.done $0x0  }
0x9d: {  	[sflag:s26] =	ssyncadd.s32 $0xFFFFD8F0  }
0x9e: {  	_ =	sfence.sel $0x180000  }
0x9f: {  	[bflag:$0x0] =	sbarrier.arrive $0xFFFF  }
0xa0: {  	_ =	strace $0x9000004A  }
0xa1: {  	s0 =	stileid.u32;
	[bflag:$0x2] =	sbarrier.arrive $0xFFFF  }
0xa2: {  	p0 =	sne.s32 s0, $0x0;
	s0 =	rddreg [dreg:$0x2]  }
0xa3: {  	s0 =	sadd.s32 @!p0 $0x100000, s0  }
0xa4: {  	[sflag:s0] =	ssyncadd.tile.s32 @!p0 $0x1;
	_ =	shalt  }
.Lfunc_end2:
_tile_overlayer_lowered:
.L_overlay_start_2:
0xa5: {  	(tag) =	ssettag $0x2  }
0xa6: {  	s0 =	rddreg [dreg:$0x0];
	s2 =	stileid.u32  }
0xa7: {  	s1 =	rddreg [dreg:$0x1];
	p0 =	sne.s32 s2, $0x0  }
0xa8: {  	s3 =	rddreg [dreg:$0x2];
	[bflag:$0x3] =	sbarrier.arrive $0xFFFF;
	s2 =	simm.s32 @!p0 $0x1C03  }
0xa9: {  	[timem:s3], [sflag:s2] =	dma.local @!p0 [hbm:s0], s1  }
0xaa: {  	s0 =	simm.s32 @!p0 $0x3  }
0xab: {  	_ =	swait.ge @!p0 [sflag:s0], s1  }
0xac: {  	s1 =	ssub.s32 @!p0 $0x0, s1;
	[sflag:s0] =	ssyncset.done @!p0 $0x0  }
0xad: {  	[sflag:s0] =	ssyncadd.s32 @!p0 s1  }
0xae: {  	[bflag:$0x3] =	sbarrier.arrive $0xFFFF  }
0xaf: {  	_ =	shalt  }

// kernel: kernel.7.cloned.1.call-start
scs
__scs_entry_jumppad:
0x0: {  	(pc) =	sbr.rel $0x88, $3  }
0x1: {  	(tag) =	ssettag $0x0;
	lr =	simm.s32 $0x1  }
0x2: {  	[smem:$0x3F8D] =	sst lr;
	_ =	strace $0xD0000000  }
0x3: {  	_ = 	snop  }
0x4: {  	_ = 	snop  }
0x5: {  	_ = 	snop  }
0x6: {  	_ = 	snop  }
0x7: {  	_ = 	snop  }
__scs_overlays_trampoline_lowered:
0x8: {  	[smem:$0x3F9C] =	sst s0  }
0x9: {  	[smem:$0x3F9D] =	sst s1  }
0xa: {  	[smem:$0x3F9E] =	sst s2  }
0xb: {  	[smem:$0x3F9F] =	sst s3  }
0xc: {  	[smem:$0x3FA0] =	sst s4  }
0xd: {  	[smem:$0x3FA1] =	sst s5  }
0xe: {  	[smem:$0x3FA2] =	sst s6  }
0xf: {  	[smem:$0x3FA3] =	sst s7  }
0x10: {  	[smem:$0x3FA4] =	sst s8  }
0x11: {  	[smem:$0x3FA5] =	sst s9;
	s0 =	simm.s32 @!p0 $0x0  }
0x12: {  	s1 =	sld [smem:$0x3F8B];
	s0 =	simm.s32 @p0 $0x1  }
0x13: {  	[smem:$0x3FA6] =	sst s0;
	s0 =	simm.s32 @!p1 $0x0  }
0x14: {  	s2 =	sld [smem:$0x3F8A];
	s0 =	simm.s32 @p1 $0x1  }
0x15: {  	[smem:$0x3FA7] =	sst s0;
	s0 =	simm.s32 @!p2 $0x0  }
0x16: {  	s3 =	sld [smem:$0x3FDB];
	s0 =	simm.s32 @p2 $0x1  }
0x17: {  	s4 =	simm.s32 $0x1BF5;
	[smem:$0x3FA9] =	sst s0  }
0x18: {  	s0 =	sld [smem:$0x3F8C];
	_ =	swait.ge [sflag:s4], $0x0  }
0x19: {  	s7 =	sld [smem:$0x3F8D]  }
0x1a: {  	s8 =	sadd.s32 $0xFFFFE003, lr  }
0x1b: {  	s9 =	sadd.s32 $0xFFFFFEF7, lr;
	s5 =	simm.s32 $0xFFFFFFFF;
	p2 =	slt.u32 s8, $0xFFFFF086  }
0x1c: {  	p1 =	slt.u32 s9, $0xF7A;
	s5 =	simm.s32 @!p2 $0x0  }
0x1d: {  	s5 =	simm.s32 @p1 $0x1;
	p0 =	seq.s32 s7, s2  }
0x1e: {  	s7 =	smul.u32 @!p0 $0xF7A, s2;
	p2 =	seq.s32 @!p0 s5, $0x0  }
0x1f: {  	s9 =	smul.u32 $0xF7A, s1;
	s8 =	simm.s32 @!p0 $0x1BF5;
	p2 =	por !p2, p0  }
0x20: {  	[sflag:s8] =	ssyncset.s32 @!p0 $0xFFFFF086;
	s6 =	sadd.s32 @!p0 s3, s7;
	s7 =	simm.s32 @!p0 $0x108  }
0x21: {  	s3 =	sadd.s32 s3, s9;
	s6 =	sadd.s32 @!p0 $0x88, s6;
	s7 =	simm.s32 @p2 $0x1082  }
0x22: {  	[simem:s7], [sflag:s8] =	dma.local @!p0 [hbm:s6], $0xF7A  }
0x23: {  	s9 =	sor.u32 $0xD0000000, s2;
	s6 =	simm.s32 $0x108;
	_ =	swait.ge @!p0 [sflag:s8], $0x0  }
0x24: {  	s3 =	sadd.s32 $0x88, s3;
	s6 =	simm.s32 @!p1 $0x1082;
	[sflag:s4] =	ssyncset.s32 $0xFFFFF086  }
0x25: {  	[simem:s6], [sflag:s4] =	dma.local [hbm:s3], $0xF7A  }
0x26: {  	[smem:$0x3F8D] =	sst s1;
	(tag) =	ssettag s2;
	_ =	strace s9  }
0x27: {  	s1 =	sld [smem:$0x3F9D]  }
0x28: {  	s2 =	sld [smem:$0x3F9E]  }
0x29: {  	s4 =	sld [smem:$0x3FA0]  }
0x2a: {  	p0 =	seq.s32 s5, $0x0;
	s5 =	sld [smem:$0x3FA1]  }
0x2b: {  	s6 =	sld [smem:$0x3FA2]  }
0x2c: {  	s7 =	sld [smem:$0x3FA3]  }
0x2d: {  	s3 =	simm.s32 $0x108;
	s8 =	sld [smem:$0x3FA4]  }
0x2e: {  	s3 =	simm.s32 @!p0 $0x1082;
	s9 =	sld [smem:$0x3FA5]  }
0x2f: {  	lr =	sadd.s32 s0, s3;
	s0 =	sld [smem:$0x3F9C]  }
0x30: {  	s3 =	sld [smem:$0x3F9F]  }
0x31: {  	[smem:$0x3FA8] =	sst s10  }
0x32: {  	s10 =	sld [smem:$0x3FA6];
	_ =	sdelay $0x3  }
0x33: {  	p0 =	seq.s32 s10, $0x1;
	s10 =	sld [smem:$0x3FA8];
	_ =	sdelay $0x3  }
0x34: {  	[smem:$0x3FA8] =	sst s10  }
0x35: {  	s10 =	sld [smem:$0x3FA7];
	_ =	sdelay $0x3  }
0x36: {  	p1 =	seq.s32 s10, $0x1;
	s10 =	sld [smem:$0x3FA8];
	_ =	sdelay $0x3  }
0x37: {  	[smem:$0x3FA8] =	sst s10  }
0x38: {  	s10 =	sld [smem:$0x3FA9]  }
0x39: {  	_ = 	snop;
	(pc) =	sbr.ind lr, $3  }
0x3a: {  	_ = 	snop  }
0x3b: {  	_ = 	snop  }
0x3c: {  	p2 =	seq.s32 s10, $0x1;
	s10 =	sld [smem:$0x3FA8]  }
0x3d: {  	_ =	shalt  }
0x3e: {  	_ =	shalt  }
0x3f: {  	_ =	shalt  }
0x40: {  	_ =	shalt  }
0x41: {  	_ =	shalt  }
0x42: {  	_ =	shalt  }
0x43: {  	_ =	shalt  }
0x44: {  	_ =	shalt  }
0x45: {  	_ =	shalt  }
0x46: {  	_ =	shalt  }
0x47: {  	_ =	shalt  }
0x48: {  	_ =	shalt  }
0x49: {  	_ =	shalt  }
0x4a: {  	_ =	shalt  }
0x4b: {  	_ =	shalt  }
0x4c: {  	_ =	shalt  }
0x4d: {  	_ =	shalt  }
0x4e: {  	_ =	shalt  }
0x4f: {  	_ =	shalt  }
0x50: {  	_ =	shalt  }
0x51: {  	_ =	shalt  }
0x52: {  	_ =	shalt  }
0x53: {  	_ =	shalt  }
0x54: {  	_ =	shalt  }
0x55: {  	_ =	shalt  }
0x56: {  	_ =	shalt  }
0x57: {  	_ =	shalt  }
0x58: {  	_ =	shalt  }
0x59: {  	_ =	shalt  }
0x5a: {  	_ =	shalt  }
0x5b: {  	_ =	shalt  }
0x5c: {  	_ =	shalt  }
0x5d: {  	_ =	shalt  }
0x5e: {  	_ =	shalt  }
0x5f: {  	_ =	shalt  }
0x60: {  	_ =	shalt  }
0x61: {  	_ =	shalt  }
0x62: {  	_ =	shalt  }
0x63: {  	_ =	shalt  }
0x64: {  	_ =	shalt  }
0x65: {  	_ =	shalt  }
0x66: {  	_ =	shalt  }
0x67: {  	_ =	shalt  }
0x68: {  	_ =	shalt  }
0x69: {  	_ =	shalt  }
0x6a: {  	_ =	shalt  }
0x6b: {  	_ =	shalt  }
0x6c: {  	_ =	shalt  }
0x6d: {  	_ =	shalt  }
0x6e: {  	_ =	shalt  }
0x6f: {  	_ =	shalt  }
0x70: {  	_ =	shalt  }
0x71: {  	_ =	shalt  }
0x72: {  	_ =	shalt  }
0x73: {  	_ =	shalt  }
0x74: {  	_ =	shalt  }
0x75: {  	_ =	shalt  }
0x76: {  	_ =	shalt  }
0x77: {  	_ =	shalt  }
0x78: {  	_ =	shalt  }
0x79: {  	_ =	shalt  }
0x7a: {  	_ =	shalt  }
0x7b: {  	_ =	shalt  }
0x7c: {  	_ =	shalt  }
0x7d: {  	_ =	shalt  }
0x7e: {  	_ =	shalt  }
0x7f: {  	_ =	shalt  }
0x80: {  	_ =	shalt  }
0x81: {  	_ =	shalt  }
0x82: {  	_ =	shalt  }
0x83: {  	_ =	shalt  }
0x84: {  	_ =	shalt  }
0x85: {  	_ =	shalt  }
0x86: {  	_ =	shalt  }
0x87: {  	_ =	shalt  }
.Lfunc_end0:
.L_simem_size_0:
called_computation_lowered:
.L_overlay_start_0:
0x88: {  	s2 =	sld [smem:$0x3FD9]  }
0x89: {  	s3 =	sld [smem:$0x3FFE];
	_ =	sdelay $0x1  }
0x8a: {  	s1 =	srdreg.scid  }
0x8b: {  	s0 =	sand.u32 $0x1, s1  }
0x8c: {  	s14 =	sshll.u32 s0, $0xA;
	s2 =	sadd.s32 s3, s2  }
0x8d: {  	s2 =	sadd.s32 s2, s14  }
0x8e: {  	[smem:$0x3FB4] =	sst s2  }
0x8f: {  	_ = 	snop  }
0x90: {  	s2 =	sld [smem:$0x3FD0];
	_ =	sdelay $0x2  }
0x91: {  	s15 =	simm.s32 $0xA;
	s4 =	simm.s32 $0x10  }
0x92: {  	[smem:s4], [sflag:s15] =	dma.local [hbm:s2], $0x1  }
0x93: {  	_ =	swait.eq [sflag:s15], $0x1  }
0x94: {  	[sflag:s15] =	ssyncset.done $0x0  }
0x95: {  	s16 =	sld [smem:$0x11];
	[sflag:s15] =	ssyncadd.s32 $0xFFFFFFFF  }
0x96: {  	s17 =	sld [smem:$0x12];
	(tm) =	ssettm $0x1  }
0x97: {  	s18 =	sld [smem:$0x3FFB];
	_ =	sdelay $0x3  }
0x98: {  	_ =	strace s18  }
0x99: {  	s4 =	sld [smem:$0x3FFC];
	_ =	sdelay $0x3  }
0x9a: {  	_ =	strace s4  }
0x9b: {  	s4 =	sld [smem:$0x3FFD];
	_ =	sdelay $0x3  }
0x9c: {  	_ =	strace s4  }
0x9d: {  	_ =	strace $0x8FFFFFFF  }
0x9e: {  	s19 =	sld [smem:$0x3FDB];
	_ =	sdelay $0x1  }
0x9f: {  	s5 =	simm.s32 $_scs_section_size  }
0xa0: {  	s6 =	simm.s32 $_size__tile_overlayer_lowered;
	s7 =	simm.s32 $_tile_overlayer_lowered  }
0xa1: {  	s22 =	simm.s32 $0x1BFF;
	s21 =	sshll.u32 s7, $0x1;
	s4 =	sadd.s32 s5, s19  }
0xa2: {  	s8 =	simm.s32 $0x0;
	s20 =	sshll.u32 s6, $0x1;
	s6 =	sadd.s32 s21, s4  }
0xa3: {  	[timem:s8], [sflag:s22] =	dma.local [hbm:s6], s20  }
0xa4: {  	_ =	swait.ge [sflag:s22], s20  }
0xa5: {  	s5 =	ssub.s32 $0x0, s20;
	[sflag:s22] =	ssyncset.done $0x0  }
0xa6: {  	[sflag:s22] =	ssyncadd.s32 s5;
	_ =	sdelay $0x1  }
0xa7: {  	s23 =	simm.s32 $0x1B8B  }
0xa8: {  	_ =	swait.ge [sflag:s23], $0x1  }
0xa9: {  	[sflag:s23] =	ssyncset.done $0x0  }
0xaa: {  	s25 =	simm.s32 $0x1B8E;
	s24 =	sld [smem:$0x3FFE];
	[sflag:s23] =	ssyncadd.s32 $0xFFFFFFFF  }
0xab: {  	s26 =	simm.s32 $execute0_lowered;
	[smem:$0x3FD2] =	sst s25  }
0xac: {  	s6 =	sshll.u32 s26, $0x1;
	_ =	strace $0x80000046;
	[dreg:$0x1] =	wrdreg $0xFFFFFFFF  }
0xad: {  	s28 =	simm.s32 $_size_execute0_lowered;
	s4 =	sadd.s32 s4, s6;
	[dreg:$0x0] =	wrdreg $0x0  }
0xae: {  	s6 =	sshll.u32 s28, $0x1;
	[dreg:$0x2] =	wrdreg s4  }
0xaf: {  	[dreg:$0x3] =	wrdreg s6  }
0xb0: {  	[dreg:$0x4] =	wrdreg $0xC0  }
0xb1: {  	_ =	task [dreg:s8], $0x5FFFF  }
0xb2: {  	[dreg:$0x1] =	wrdreg $0xFFFFFFFF  }
0xb3: {  	[dreg:$0x0] =	wrdreg $0x60  }
0xb4: {  	[dreg:$0x2] =	wrdreg s16  }
0xb5: {  	[dreg:$0x3] =	wrdreg s24  }
0xb6: {  	[dreg:$0x4] =	wrdreg s17  }
0xb7: {  	[dreg:$0x5] =	wrdreg $0x9  }
0xb8: {  	_ =	task.clear_ibuf [dreg:s8], $0x6FFFF;
	_ =	strace $0x90000046  }
0xb9: {  	s29 =	simm.s32 $0x9;
	_ =	strace $0x80000048  }
0xba: {  	_ =	swait.ge [sflag:s29], $0x1  }
0xbb: {  	[sflag:s29] =	ssyncadd.s32 $0xFFFFFFFF  }
0xbc: {  	_ =	strace $0x90000048  }
0xbd: {  	_ =	sfence  }
0xbe: {  	s30 =	sld [smem:$0x0];
	_ =	sdelay $0x2  }
0xbf: {  	s31 =	sshll.u32 s1, $0xD;
	s1 =	sshrl.u32 s1, $0x2  }
0xc0: {  	s3 =	sand.u32 $0x4000, s31;
	s1 =	sadd.s32 s1, s30  }
0xc1: {  	s0 =	sor.u32 s3, s0;
	s1 =	sshll.u32 s1, $0x11  }
0xc2: {  	s0 =	sor.u32 s1, s0  }
0xc3: {  	s0 =	sadd.s32 $0x8F2B, s0  }
0xc4: {  	[sflag:s0] =	ssyncadd.remote.s32 $0x1  }
0xc5: {  	_ =	sfence.sel $0xFFFF  }
0xc6: {  	[dreg:$0x0] =	wrdreg $0xFFFFFFFF;
	(pc) =	sbr.abs _section_cstart, $3  }
0xc7: {  	[dreg:$0x1] =	wrdreg $0xFFFFFFFF  }
0xc8: {  	_ =	task.clear_ibuf [dreg:s8], $0x2FFFF;
	_ =	strace $0x9FFFFFFF  }
0xc9: {  	(tm) =	ssettm $0x7FFFFFFF  }
tec
execute0_lowered:
.L_overlay_start_1:
0x0: {  	(tag) =	ssettag $0x1  }
0x1: {  	s1 =	rddreg [dreg:$0x0]  }
0x2: {  	s0 =	rddreg [dreg:$0x1]  }
0x3: {  	s3 =	rddreg [dreg:$0x2]  }
0x4: {  	s2 =	srdreg.scid;
	s12 =	stileid.u32  }
0x5: {  	s4 =	simm.s32 $0x0;
	s17 =	simm.s32 $0x50;
	s18 =	simm.s32 $0x1  }
0x6: {  	s19 =	simm.s32 $0x140;
	s28 =	simm.s32 $0x2940;
	s29 =	simm.s32 $0x3D40  }
0x7: {  	s30 =	simm.s32 $0x4;
	s31 =	simm.s32 $0x5;
	s21 =	smul.u32 $0x4E20, s12  }
0x8: {  	s2 =	sand.u32 $0x1, s2;
	s5 =	sshll.u32 s12, $0x1;
	s13 =	smul.u32 $0x4E200, s12  }
0x9: {  	[smem:$0x7FF] =	sst s4;
	s6 =	sor.u32 s2, s5;
	s11 =	smul.u32 $0x2710, s2  }
0xa: {  	_ =	strace $0x80000047;
	s8 =	ssub.s32 $0x2, s2;
	s2 =	smul.u32 $0x27100, s2  }
0xb: {  	s5 =	sadd.s32 $0x3000, s0;
	s7 =	smul.u32 $0x2710, s6;
	s9 =	sshrl.u32 s8, $0x1  }
0xc: {  	s0 =	sadd.s32 $0xCE00, s0;
	s6 =	smul.u32 $0x138800, s6;
	s8 =	ssub.s32 s8, s9  }
0xd: {  	s25 =	sadd.s32 s11, s21;
	s21 =	simm.s32 $0xA0;
	s7 =	sshrl.u32 s7, $0x3  }
0xe: {  	s6 =	sshrl.u32 s6, $0x3;
	s26 =	sadd.s32 $0xF0, s25;
	s8 =	smax.u32 s8, $0x1  }
0xf: {  	s20 =	sadd.s32 s5, s7;
	s10 =	sadd.s32 $0xA, s7;
	[dreg:$0xa] =	wrdreg s8  }
0x10: {  	s7 =	sadd.s32 s3, s7;
	s6 =	sadd.s32 s0, s6;
	[dreg:$0x4] =	wrdreg s20  }
0x11: {  	s0 =	sadd.s32 s13, s0;
	[dreg:$0x5] =	wrdreg s7;
	s22 =	sadd.s32 s5, s10  }
0x12: {  	s23 =	sadd.s32 s3, s10;
	s24 =	sadd.s32 $0x26C00, s6;
	[dreg:$0x6] =	wrdreg s22  }
0x13: {  	s6 =	sadd.s32 $0x26C08, s6;
	s15 =	sadd.s32 s2, s0;
	[dreg:$0x7] =	wrdreg s23  }
.Ltmp0:
0x14: {  	s20 =	simm.s32 $0x1540;
	[dreg:$0x8] =	wrdreg s24;
	(pc) =	sbr.rel .LBB2_1-.Ltmp0, $4  }
0x15: {  	s0 =	simm.s32 $0x6;
	s2 =	simm.s32 $0x0;
	[dreg:$0x9] =	wrdreg s6  }
0x16: {  	s6 =	sshrl.u32 s26, $0x3;
	s22 =	simm.s32 $0xF0;
	s23 =	simm.s32 $0x3  }
0x17: {  	s24 =	simm.s32 $0x40;
	s26 =	simm.s32 $0x2;
	s9 =	sadd.s32 s6, s3  }
0x18: {  	s8 =	sadd.s32 s6, s5;
	s6 =	sadd.s32 $0xA0, s25;
	s25 =	simm.s32 $0x80  }
.LBB2_4:
0x19: {  	_ =	swait.ge [sflag:s23], $0x1400  }
0x1a: {  	[sflag:s23] =	ssyncset.done $0x0  }
0x1b: {  	[sflag:s23] =	ssyncadd.s32 $0xFFFFEC00  }
0x1c: {  	_ =	swait.ge [sflag:s23], $0x1400  }
0x1d: {  	[sflag:s23] =	ssyncset.done $0x0  }
0x1e: {  	[sflag:s23] =	ssyncadd.s32 $0xFFFFEC00  }
0x1f: {  	_ =	swait.ge [sflag:s0], $0x1400  }
0x20: {  	[sflag:s0] =	ssyncset.done $0x0  }
0x21: {  	[sflag:s0] =	ssyncadd.s32 $0xFFFFEC00  }
0x22: {  	_ =	swait.ge [sflag:s0], $0x1400  }
0x23: {  	[sflag:s0] =	ssyncset.done $0x0  }
0x24: {  	s7 =	rddreg [dreg:$0x8];
	[sflag:s0] =	ssyncadd.s32 $0xFFFFEC00  }
0x25: {  	[hbm4b:s7+s24] =	stream.strided.scatter [tilespmem:s19], [sflag:$0x5], $0x1400, s25, s24, $0x38;
	[tilespmem:$0x5140] =	vst v63  }
0x26: {  	s14 =	rddreg [dreg:$0x9]  }
0x27: {  	[hbm4b:s14+s24] =	stream.strided.scatter [tilespmem:s20], [sflag:$0x5], $0x1400, s25, s24, $0x38;
	[tilespmem:$0x5140] =	vst v63  }
0x28: {  	_ =	swait.ge [sflag:s31], $0x1400  }
0x29: {  	[sflag:s31] =	ssyncset.done $0x0  }
0x2a: {  	[sflag:s31] =	ssyncadd.s32 $0xFFFFEC00  }
0x2b: {  	_ =	swait.ge [sflag:s31], $0x1400  }
0x2c: {  	s2 =	sadd.s32 $0x1, s2;
	s16 =	rddreg [dreg:$0xa]  }
0x2d: {  	p0 =	sne.s32 s2, s16  }
.Ltmp1:
0x2e: {  	_ = 	snop;
	(pc) =	sbr.rel @!p0 .LBB2_5-.Ltmp1, $3  }
0x2f: {  	_ =	sdelay $0x1  }
0x30: {  	[sflag:s31] =	ssyncset.done $0x0  }
0x31: {  	[sflag:s31] =	ssyncadd.s32 $0xFFFFEC00  }
.LBB2_1:
0x32: {  	s7 =	rddreg [dreg:$0x4]  }
0x33: {  	[tilespmem:s4], [sflag:$0x1] =	stream.linear.gather [hbm4b:s7+s4], $0x50, $0x38;
	[tilespmem:$0x5140] =	vst v63  }
0x34: {  	s13 =	rddreg [dreg:$0x5]  }
0x35: {  	[tilespmem:s17], [sflag:$0x1] =	stream.linear.gather [hbm4b:s13+s4], $0x50, $0x38;
	[tilespmem:$0x5140] =	vst v63  }
0x36: {  	_ =	swait.ge [sflag:s18], $0x50  }
0x37: {  	[sflag:s18] =	ssyncset.done $0x0  }
0x38: {  	[sflag:s18] =	ssyncadd.s32 $0xFFFFFFB0  }
0x39: {  	_ =	swait.ge [sflag:s18], $0x50  }
0x3a: {  	[sflag:s18] =	ssyncset.done $0x0  }
0x3b: {  	[sflag:s18] =	ssyncadd.s32 $0xFFFFFFB0  }
0x3c: {  	[tilespmem:s19], [sflag:$0x3] =	stream.indirect.gather [hbm4b:s1+s17], $0x40, s4, s17, $0xb8;
	[tilespmem:$0x5140] =	vst v63  }
0x3d: {  	_ = 	snop  }
0x3e: {  	[tilespmem:s20], [sflag:$0x3] =	stream.indirect.gather [hbm4b:s1+s17], $0x40, s17, s17, $0xb8;
	[tilespmem:$0x5140] =	vst v63  }
0x3f: {  	s14 =	rddreg [dreg:$0x6]  }
0x40: {  	[tilespmem:s21], [sflag:$0x2] =	stream.linear.gather [hbm4b:s14+s4], $0x50, $0x38;
	[tilespmem:$0x5140] =	vst v63  }
0x41: {  	s7 =	simm.s32 $0x0;
	s16 =	rddreg [dreg:$0x7]  }
0x42: {  	[tilespmem:s22], [sflag:$0x2] =	stream.linear.gather [hbm4b:s16+s4], $0x50, $0x38;
	[tilespmem:$0x5140] =	vst v63  }
0x43: {  	s13 =	smov.u32 s9;
	s14 =	smov.u32 s8;
	s16 =	smov.u32 s6  }
.LBB2_2:
0x44: {  	_ =	swait.ge [sflag:s23], $0x1400  }
0x45: {  	[sflag:s23] =	ssyncset.done $0x0  }
0x46: {  	[sflag:s23] =	ssyncadd.s32 $0xFFFFEC00  }
0x47: {  	_ =	swait.ge [sflag:s23], $0x1400  }
0x48: {  	[sflag:s23] =	ssyncset.done $0x0  }
0x49: {  	s10 =	sadd.s32 s7, s15;
	[sflag:s23] =	ssyncadd.s32 $0xFFFFEC00  }
0x4a: {  	[hbm4b:s10+s24] =	stream.strided.scatter [tilespmem:s19], [sflag:$0x5], $0x1400, s25, s24, $0x38;
	[tilespmem:$0x5140] =	vst v63  }
0x4b: {  	s11 =	sadd.s32 $0x8, s10  }
0x4c: {  	[hbm4b:s11+s24] =	stream.strided.scatter [tilespmem:s20], [sflag:$0x5], $0x1400, s25, s24, $0x38;
	[tilespmem:$0x5140] =	vst v63  }
0x4d: {  	_ =	swait.ge [sflag:s26], $0x50  }
0x4e: {  	[sflag:s26] =	ssyncset.done $0x0  }
0x4f: {  	[sflag:s26] =	ssyncadd.s32 $0xFFFFFFB0  }
0x50: {  	_ =	swait.ge [sflag:s26], $0x50  }
0x51: {  	p0 =	seq.s32 s7, $0x0;
	[sflag:s26] =	ssyncset.done $0x0  }
0x52: {  	s11 =	simm.s32 @!p0 $0x6;
	[sflag:s26] =	ssyncadd.s32 $0xFFFFFFB0  }
0x53: {  	_ =	swait.ge @!p0 [sflag:s11], $0x1400  }
0x54: {  	[sflag:s11] =	ssyncset.done @!p0 $0x0  }
0x55: {  	[sflag:s11] =	ssyncadd.s32 @!p0 $0xFFFFEC00  }
0x56: {  	_ =	swait.ge @!p0 [sflag:s11], $0x1400  }
0x57: {  	[sflag:s11] =	ssyncset.done @!p0 $0x0  }
0x58: {  	[sflag:s11] =	ssyncadd.s32 @!p0 $0xFFFFEC00  }
0x59: {  	[tilespmem:s28], [sflag:$0x4] =	stream.indirect.gather [hbm4b:s1+s17], $0x40, s21, s17, $0xb8;
	[tilespmem:$0x5140] =	vst v63  }
0x5a: {  	s11 =	sshrl.u32 s16, $0x3  }
0x5b: {  	[tilespmem:s29], [sflag:$0x4] =	stream.indirect.gather [hbm4b:s1+s17], $0x40, s22, s17, $0xb8;
	[tilespmem:$0x5140] =	vst v63  }
0x5c: {  	s12 =	sadd.s32 s5, s11  }
0x5d: {  	[tilespmem:s4], [sflag:$0x1] =	stream.linear.gather [hbm4b:s12+s4], $0x50, $0x38;
	[tilespmem:$0x5140] =	vst v63  }
0x5e: {  	s11 =	sadd.s32 s3, s11  }
0x5f: {  	[tilespmem:s17], [sflag:$0x1] =	stream.linear.gather [hbm4b:s11+s4], $0x50, $0x38;
	[tilespmem:$0x5140] =	vst v63  }
0x60: {  	_ =	swait.ge [sflag:s30], $0x1400  }
0x61: {  	[sflag:s30] =	ssyncset.done $0x0  }
0x62: {  	[sflag:s30] =	ssyncadd.s32 $0xFFFFEC00  }
0x63: {  	_ =	swait.ge [sflag:s30], $0x1400  }
0x64: {  	[sflag:s30] =	ssyncset.done $0x0  }
0x65: {  	s12 =	sadd.s32 $0x500, s10;
	[sflag:s30] =	ssyncadd.s32 $0xFFFFEC00  }
0x66: {  	[hbm4b:s12+s24] =	stream.strided.scatter [tilespmem:s28], [sflag:$0x6], $0x1400, s25, s24, $0x38;
	[tilespmem:$0x5140] =	vst v63  }
0x67: {  	s10 =	sadd.s32 $0x508, s10  }
0x68: {  	[hbm4b:s10+s24] =	stream.strided.scatter [tilespmem:s29], [sflag:$0x6], $0x1400, s25, s24, $0x38;
	[tilespmem:$0x5140] =	vst v63  }
0x69: {  	_ =	swait.ge [sflag:s18], $0x50  }
0x6a: {  	[sflag:s18] =	ssyncset.done $0x0  }
0x6b: {  	[sflag:s18] =	ssyncadd.s32 $0xFFFFFFB0  }
0x6c: {  	_ =	swait.ge [sflag:s18], $0x50  }
0x6d: {  	[sflag:s18] =	ssyncset.done $0x0  }
0x6e: {  	[sflag:s18] =	ssyncadd.s32 $0xFFFFFFB0  }
0x6f: {  	_ =	swait.ge [sflag:s31], $0x1400  }
0x70: {  	[sflag:s31] =	ssyncset.done $0x0  }
0x71: {  	[sflag:s31] =	ssyncadd.s32 $0xFFFFEC00  }
0x72: {  	p0 =	seq.s32 s7, $0x26200;
	_ =	swait.ge [sflag:s31], $0x1400  }
.Ltmp2:
0x73: {  	[sflag:s31] =	ssyncset.done $0x0;
	(pc) =	sbr.rel @p0 .LBB2_4-.Ltmp2, $4  }
0x74: {  	[sflag:s31] =	ssyncadd.s32 $0xFFFFEC00  }
0x75: {  	[tilespmem:s19], [sflag:$0x3] =	stream.indirect.gather [hbm4b:s1+s17], $0x40, s4, s17, $0xb8;
	[tilespmem:$0x5140] =	vst v63  }
0x76: {  	_ = 	snop  }
0x77: {  	[tilespmem:s20], [sflag:$0x3] =	stream.indirect.gather [hbm4b:s1+s17], $0x40, s17, s17, $0xb8;
	[tilespmem:$0x5140] =	vst v63  }
.Ltmp3:
0x78: {  	(pc) =	sbr.rel .LBB2_2-.Ltmp3, $4  }
0x79: {  	[tilespmem:s21], [sflag:$0x2] =	stream.linear.gather [hbm4b:s14+s4], $0x50, $0x38;
	[tilespmem:$0x5140] =	vst v63  }
0x7a: {  	s14 =	sadd.s32 $0x14, s14  }
0x7b: {  	[tilespmem:s22], [sflag:$0x2] =	stream.linear.gather [hbm4b:s13+s4], $0x50, $0x38;
	[tilespmem:$0x5140] =	vst v63  }
0x7c: {  	s7 =	sadd.s32 $0xA00, s7;
	s16 =	sadd.s32 $0xA0, s16;
	s13 =	sadd.s32 $0x14, s13  }
.LBB2_5:
0x7d: {  	_ =	sfence.sel $0x180000  }
0x7e: {  	[bflag:$0x0] =	sbarrier.arrive $0xFFFF  }
0x7f: {  	_ =	strace $0x90000047  }
0x80: {  	s0 =	stileid.u32;
	[bflag:$0x2] =	sbarrier.arrive $0xFFFF  }
0x81: {  	p0 =	sne.s32 s0, $0x0;
	s0 =	rddreg [dreg:$0x3]  }
0x82: {  	s0 =	sadd.s32 @!p0 $0x100000, s0  }
0x83: {  	[sflag:s0] =	ssyncadd.tile.s32 @!p0 $0x1;
	_ =	shalt  }
.Lfunc_end2:
_tile_overlayer_lowered:
.L_overlay_start_2:
0x84: {  	(tag) =	ssettag $0x2  }
0x85: {  	s0 =	rddreg [dreg:$0x0];
	s2 =	stileid.u32  }
0x86: {  	s1 =	rddreg [dreg:$0x1];
	p0 =	sne.s32 s2, $0x0  }
0x87: {  	s3 =	rddreg [dreg:$0x2];
	[bflag:$0x3] =	sbarrier.arrive $0xFFFF;
	s2 =	simm.s32 @!p0 $0x1C07  }
0x88: {  	[timem:s3], [sflag:s2] =	dma.local @!p0 [hbm:s0], s1  }
0x89: {  	s0 =	simm.s32 @!p0 $0x7  }
0x8a: {  	_ =	swait.ge @!p0 [sflag:s0], s1  }
0x8b: {  	s1 =	ssub.s32 @!p0 $0x0, s1;
	[sflag:s0] =	ssyncset.done @!p0 $0x0  }
0x8c: {  	[sflag:s0] =	ssyncadd.s32 @!p0 s1  }
0x8d: {  	[bflag:$0x3] =	sbarrier.arrive $0xFFFF  }
0x8e: {  	_ =	shalt  }

</sc_bundles>
